<compile_context>
chip_gen: v7x
topology: tpu7x:2x2x1
jax: 0.10.2.dev20260603
libtpu: 0.0.44.dev20260713+nightly
codegen_flags: <defaults>
</compile_context>

<pallas_src>
import functools

import jax
import jax.numpy as jnp
from jax import lax
from jax.experimental import pallas as pl
from jax.experimental.pallas import tpu as pltpu
from jax.experimental.pallas import tpu_sc as plsc

_NEG = 0.2
_G = 64


def _leaky(t):
    return jnp.where(t >= 0, t, _NEG * t)



def _sc_degree(dst2, npad):
    nw, ept = dst2.shape
    mesh = plsc.VectorSubcoreMesh(core_axis_name="c", subcore_axis_name="s")

    @functools.partial(
        pl.kernel,
        mesh=mesh,
        compiler_params=pltpu.CompilerParams(needs_layout_passes=False),
        out_type=jax.ShapeDtypeStruct((nw, npad), jnp.float32),
        scratch_types=[
            pltpu.VMEM((ept,), jnp.int32),
            pltpu.VMEM((npad,), jnp.float32),
        ],
    )
    def deg_kernel(dst_hbm, out_hbm, dst_v, deg_v):
        c = lax.axis_index("c")
        s = lax.axis_index("s")
        wid = s * 2 + c
        pltpu.sync_copy(dst_hbm.at[wid], dst_v)

        zero16 = jnp.zeros((16,), jnp.float32)

        def zbody(ri, carry):
            deg_v[pl.ds(ri * 16, 16)] = zero16
            return carry

        lax.fori_loop(0, npad // 16, zbody, 0)

        one16 = jnp.ones((16,), jnp.float32)

        def body(gi, carry):
            idx = dst_v[pl.ds(gi * 16, 16)]
            plsc.addupdate_scatter(deg_v, [idx], one16)
            return carry

        lax.fori_loop(0, ept // 16, body, 0)
        pltpu.sync_copy(deg_v, out_hbm.at[wid])

    return deg_kernel(dst2)


def _sc_edge_agg(y, src3, dst3, zeros_nd, slow_core, ngroups_slow):
    n, d = y.shape
    nw, c_chunks, k = src3.shape
    npad = zeros_nd.shape[0]
    rpt = npad // 16
    gsz = 40
    npairs = gsz // 2
    ngroups_fast = c_chunks // gsz
    mesh = plsc.VectorSubcoreMesh(core_axis_name="c", subcore_axis_name="s")

    @functools.partial(
        pl.kernel,
        mesh=mesh,
        out_type=jax.ShapeDtypeStruct((2 * npad, d), jnp.float32),
        scratch_types=[
            pltpu.VMEM((gsz, k), jnp.int32),
            pltpu.VMEM((gsz, k), jnp.int32),
            pltpu.VMEM((2, k, d), jnp.float32),
            pltpu.VMEM_SHARED((npad, d), jnp.float32),
            pltpu.SemaphoreType.DMA,
            pltpu.SemaphoreType.DMA,
            pltpu.SemaphoreType.DMA,
            pltpu.SemaphoreType.DMA,
        ],
    )
    def agg_kernel(y_hbm, src_hbm, dst_hbm, z_hbm, out_hbm,
                   src_v, dst_v, rows_v, agg_sh, g0, g1, s0, s1):
        c = lax.axis_index("c")
        s = lax.axis_index("s")
        wid = s * 2 + c
        ngroups_me = lax.select(c == slow_core,
                                jnp.int32(ngroups_slow),
                                jnp.int32(ngroups_fast))
        pltpu.sync_copy(z_hbm.at[pl.ds(s * rpt, rpt)],
                        agg_sh.at[pl.ds(s * rpt, rpt)])
        plsc.subcore_barrier()

        def gather(ci, buf, sem):
            pltpu.async_copy(y_hbm.at[src_v.at[ci]], rows_v.at[buf], sem)

        def wait_gather(buf, sem):
            pltpu.make_async_copy(y_hbm.at[pl.ds(0, k)], rows_v.at[buf],
                                  sem).wait()

        def scatter(ci, buf, sem):
            pltpu.async_copy(rows_v.at[buf], agg_sh.at[dst_v.at[ci]], sem,
                             add=True)

        def wait_scatter(buf, sem):
            pltpu.make_async_copy(rows_v.at[buf], agg_sh.at[dst_v.at[0]],
                                  sem).wait()

        def group(g, carry):
            @pl.when(g > 0)
            def _():
                wait_scatter(0, s0)
                wait_scatter(1, s1)

            pltpu.sync_copy(src_hbm.at[wid, pl.ds(g * gsz, gsz)], src_v)
            pltpu.sync_copy(dst_hbm.at[wid, pl.ds(g * gsz, gsz)], dst_v)
            gather(0, 0, g0)
            gather(1, 1, g1)

            def body(p, carry2):
                c0 = 2 * p
                wait_gather(0, g0)
                scatter(c0, 0, s0)
                wait_gather(1, g1)
                scatter(c0 + 1, 1, s1)

                @pl.when(p < npairs - 1)
                def _():
                    wait_scatter(0, s0)
                    gather(c0 + 2, 0, g0)
                    wait_scatter(1, s1)
                    gather(c0 + 3, 1, g1)

                return carry2

            lax.fori_loop(0, npairs, body, 0)
            return carry

        lax.fori_loop(0, ngroups_me, group, 0)
        wait_scatter(0, s0)
        wait_scatter(1, s1)
        plsc.subcore_barrier()
        pltpu.sync_copy(agg_sh.at[pl.ds(s * rpt, rpt)],
                        out_hbm.at[pl.ds(c * npad + s * rpt, rpt)])

    return agg_kernel(y, src3, dst3, zeros_nd).reshape(2, npad, d)



def _dinv_from(dp):
    return lax.rsqrt(1.0 + jnp.sum(dp, axis=1))


def _tc_first(x, w1, degp, bn):
    n, d = x.shape
    h = w1.shape[1]

    def body(x_ref, w_ref, dp_ref, o_ref):
        dinv = _dinv_from(dp_ref[...])
        xw = jnp.dot(x_ref[...], w_ref[...], preferred_element_type=jnp.float32)
        o_ref[...] = xw * dinv[:, None]

    return pl.pallas_call(
        body,
        grid=(n // bn,),
        in_specs=[
            pl.BlockSpec((bn, d), lambda i: (i, 0)),
            pl.BlockSpec((d, h), lambda i: (0, 0)),
            pl.BlockSpec((bn, 32), lambda i: (i, 0)),
        ],
        out_specs=pl.BlockSpec((bn, h), lambda i: (i, 0)),
        out_shape=jax.ShapeDtypeStruct((n, h), jnp.float32),
    )(x, w1, degp)


def _tc_mid(y1, agg1, degp, b1, w2, bn):
    n, h = y1.shape

    def body(y_ref, a_ref, dp_ref, b_ref, w_ref, o_ref):
        dinv = _dinv_from(dp_ref[...])
        a = a_ref[...]
        t = (a[0] + a[1] + y_ref[...]) * dinv[:, None] + b_ref[...]
        hh = _leaky(t)
        o_ref[...] = jnp.dot(hh, w_ref[...],
                             preferred_element_type=jnp.float32) * dinv[:, None]

    return pl.pallas_call(
        body,
        grid=(n // bn,),
        in_specs=[
            pl.BlockSpec((bn, h), lambda i: (i, 0)),
            pl.BlockSpec((2, bn, h), lambda i: (0, i, 0)),
            pl.BlockSpec((bn, 32), lambda i: (i, 0)),
            pl.BlockSpec((1, h), lambda i: (0, 0)),
            pl.BlockSpec((h, h), lambda i: (0, 0)),
        ],
        out_specs=pl.BlockSpec((bn, h), lambda i: (i, 0)),
        out_shape=jax.ShapeDtypeStruct((n, h), jnp.float32),
    )(y1, agg1, degp, b1, w2)


def _tc_last(y2, agg2, degp, b2, wfc, bfc, batch3, bn):
    n, h = y2.shape
    grid = n // bn

    def body(y_ref, a_ref, dp_ref, b_ref, w_ref, bias_ref, bt_ref,
             o_ref, sums_ref, cnt_ref):
        i = pl.program_id(0)
        dinv = _dinv_from(dp_ref[...])
        a = a_ref[...]
        t = (a[0] + a[1] + y_ref[...]) * dinv[:, None] + b_ref[...]
        hh = _leaky(t)
        bt = bt_ref[0, 0, :]
        oh = (bt[:, None] == lax.broadcasted_iota(jnp.int32, (bn, _G), 1)
              ).astype(jnp.float32)

        @pl.when(i == 0)
        def _():
            sums_ref[...] = jnp.zeros_like(sums_ref)
            cnt_ref[...] = jnp.zeros_like(cnt_ref)

        dn = (((0,), (0,)), ((), ()))
        sums_ref[...] += lax.dot_general(oh, hh, dn,
                                         preferred_element_type=jnp.float32)
        cnt_ref[...] += lax.dot_general(oh, jnp.ones((bn, h), jnp.float32), dn,
                                        preferred_element_type=jnp.float32)

        @pl.when(i == grid - 1)
        def _():
            pooled = sums_ref[...] / jnp.maximum(cnt_ref[...], 1.0)
            o_ref[...] = jnp.dot(pooled, w_ref[...],
                                 preferred_element_type=jnp.float32) + bias_ref[0, 0]

    return pl.pallas_call(
        body,
        grid=(grid,),
        in_specs=[
            pl.BlockSpec((bn, h), lambda i: (i, 0)),
            pl.BlockSpec((2, bn, h), lambda i: (0, i, 0)),
            pl.BlockSpec((bn, 32), lambda i: (i, 0)),
            pl.BlockSpec((1, h), lambda i: (0, 0)),
            pl.BlockSpec((h, 1), lambda i: (0, 0)),
            pl.BlockSpec((1, 1), lambda i: (0, 0)),
            pl.BlockSpec((1, 1, bn), lambda i: (i, 0, 0)),
        ],
        out_specs=pl.BlockSpec((_G, 1), lambda i: (0, 0)),
        out_shape=jax.ShapeDtypeStruct((_G, 1), jnp.float32),
        scratch_shapes=[
            pltpu.VMEM((_G, h), jnp.float32),
            pltpu.VMEM((_G, h), jnp.float32),
        ],
    )(y2, agg2, degp, b2, wfc, bfc, batch3)



def kernel(x, edge_index, batch, W1, b1, W2, b2, Wfc, bfc):
    n, d = x.shape
    h = W1.shape[1]
    e = edge_index.shape[1]
    bn = 1000
    nw, k = 32, 128
    gsz = 40
    slow_core = 0
    cn, cs = 3 * gsz, 1 * gsz

    nfast = 16 * cn * k
    nslow = 16 * cs * k
    ef = min(e, nfast)
    src = edge_index[0]
    dst = edge_index[1]

    def asym(flat, filler):
        a_fast = jnp.concatenate(
            [flat[:ef], jnp.full((nfast - ef,), filler, jnp.int32)]
        ).reshape(16, cn, k)
        a_slow = jnp.concatenate(
            [flat[ef:], jnp.full((nfast + nslow - e - (nfast - ef),), filler,
                                 jnp.int32)]
        ).reshape(16, cs, k)
        a_slow = jnp.concatenate(
            [a_slow, jnp.full((16, cn - cs, k), filler, jnp.int32)], axis=1)
        pair = (a_slow, a_fast) if slow_core == 0 else (a_fast, a_slow)
        return jnp.stack(pair, axis=1).reshape(nw, cn, k)

    srcp = asym(src, 0)
    dstp = asym(dst, n)
    dst_sym = jnp.concatenate(
        [dst, jnp.full((nfast + nslow - e,), n, jnp.int32)]).reshape(nw, -1)

    npad = -(-n // 128) * 128
    zeros_nd = jnp.zeros((npad, d), jnp.float32)

    degp = _sc_degree(dst_sym, npad).T
    y1 = _tc_first(x, W1, degp, bn)
    agg1 = _sc_edge_agg(y1, srcp, dstp, zeros_nd, slow_core, cs // gsz)
    y2 = _tc_mid(y1, agg1, degp, b1.reshape(1, h), W2, bn)
    agg2 = _sc_edge_agg(y2, srcp, dstp, zeros_nd, slow_core, cs // gsz)
    out = _tc_last(y2, agg2, degp, b2.reshape(1, h), Wfc, bfc.reshape(1, 1),
                   batch.reshape(n // bn, 1, bn), bn)
    return out.reshape(-1)

# --- scband reference (transcript-rebuilt; emitter-appended) ---
"""Pipeline reference for scband-gcn-68796786147746 (READ-ONLY COPY).

The authoritative reference and input builder live on the scoring server;
editing this copy changes nothing except your own understanding.
"""

import jax, jax.numpy as jnp
import numpy as np

N = 10000
E = 320000
D = 128
H = 128
G = 64


def _glorot(key, fan_in, fan_out):
    s = float(np.sqrt(6.0 / (fan_in + fan_out)))
    return jax.random.uniform(key, (fan_in, fan_out), minval=-s, maxval=s, dtype=jnp.float32)


def setup_inputs(seed: int = 0) -> dict:
    key = jax.random.key(seed)
    ks = jax.random.split(key, 8)
    x = jax.random.normal(ks[0], (N, D), dtype=jnp.float32)
    edge_index = jax.random.randint(ks[1], (2, E), 0, N, dtype=jnp.int32)
    batch = jnp.sort(jax.random.randint(ks[2], (N,), 0, G, dtype=jnp.int32))
    W1 = _glorot(ks[3], D, H)
    b1 = jnp.zeros((H,), dtype=jnp.float32)
    W2 = _glorot(ks[4], H, H)
    b2 = jnp.zeros((H,), dtype=jnp.float32)
    Wfc = _glorot(ks[5], H, 1)
    bfc = jnp.zeros((1,), dtype=jnp.float32)
    return {"x": x, "edge_index": edge_index, "batch": batch, "W1": W1, "b1": b1, "W2": W2, "b2": b2, "Wfc": Wfc, "bfc": bfc}


def _gcn_conv(x, src, dst, W, b, n):
    # GCNConv: D^{-1/2} (A + I) D^{-1/2} X W + b  (symmetric norm with self-loops)
    loop = jnp.arange(n, dtype=src.dtype)
    s = jnp.concatenate([src, loop])
    d = jnp.concatenate([dst, loop])
    deg = jnp.zeros((n,), dtype=x.dtype).at[d].add(1.0)
    dinv = jnp.where(deg > 0, jax.lax.rsqrt(jnp.maximum(deg, 1e-12)), 0.0)
    xw = x @ W
    norm = (dinv[s] * dinv[d])[:, None]
    msg = jnp.take(xw, s, axis=0) * norm
    out = jnp.zeros((n, W.shape[1]), dtype=x.dtype).at[d].add(msg)
    return out + b


def reference(x, edge_index, batch, W1, b1, W2, b2, Wfc, bfc):
    n = x.shape[0]
    src = edge_index[0]
    dst = edge_index[1]
    h = _gcn_conv(x, src, dst, W1, b1, n)
    h = jax.nn.leaky_relu(h, negative_slope=0.2)
    h = _gcn_conv(h, src, dst, W2, b2, n)
    h = jax.nn.leaky_relu(h, negative_slope=0.2)
    sums = jax.ops.segment_sum(h, batch, num_segments=G)
    cnt = jax.ops.segment_sum(jnp.ones((n, 1), dtype=h.dtype), batch, num_segments=G)
    pooled = sums / jnp.maximum(cnt, 1.0)
    out = pooled @ Wfc + bfc
    return out.reshape(-1)

if __name__ == "__main__":
    import jax
    _d = setup_inputs()
    print(jax.jit(kernel)(*tuple(_d.values())))

</pallas_src>

<mosaic_0001>
#map = affine_map<(d0, d1) -> (0, 0)>
module attributes {stable_mosaic.version = 14 : i64} {
  func.func @deg_kernel(%arg0: i32, %arg1: i32, %arg2: memref<32x10240xi32, #tpu.memory_space<hbm>>, %arg3: memref<32x10112xf32, #tpu.memory_space<hbm>>, %arg4: memref<10240xi32, #tpu.memory_space<vmem>>, %arg5: memref<10112xf32, #tpu.memory_space<vmem>>) attributes {dimension_semantics = [#tpu.dimension_semantics<core_parallel>, #tpu.dimension_semantics<subcore_parallel>], iteration_bounds = array<i64: 2, 16>, scalar_prefetch = 0 : i64, scratch_operands = 2 : i64, tpu.core_type = #tpu.core_type<sc_vector_subcore>, window_params = [{transform_indices = #map}, {transform_indices = #map}]} {
    %mul3A = arith.constant 2 : i32
    %mul3A_0 = arith.muli %arg1, %mul3A : i32
    %add3A = arith.addi %mul3A_0, %arg0 : i32
    "tpu.region"() ({
      %run_scoped3A = tpu.sem_alloc : memref<!tpu.dma_semaphore, #tpu.memory_space<semaphore_mem>>
      %dma_start3A = arith.constant 0 : i32
      %dma_start3A_15 = tpu.memref_slice %arg2[%add3A, %dma_start3A] : memref<32x10240xi32, #tpu.memory_space<hbm>> -> memref<1x10240xi32, #tpu.memory_space<hbm>>
      %dma_start3A_16 = tpu.memref_squeeze %dma_start3A_15 : memref<1x10240xi32, #tpu.memory_space<hbm>> -> memref<10240xi32, #tpu.memory_space<hbm>>
      %dma_start3A_17 = arith.constant 0 : i32
      %dma_start3A_18 = tpu.memref_slice %arg2[%add3A, %dma_start3A_17] : memref<32x10240xi32, #tpu.memory_space<hbm>> -> memref<1x10240xi32, #tpu.memory_space<hbm>>
      %dma_start3A_19 = tpu.memref_squeeze %dma_start3A_18 : memref<1x10240xi32, #tpu.memory_space<hbm>> -> memref<10240xi32, #tpu.memory_space<hbm>>
      tpu.enqueue_dma source(%dma_start3A_19 : memref<10240xi32, #tpu.memory_space<hbm>>) target(%arg4 : memref<10240xi32, #tpu.memory_space<vmem>>) target_semaphore(%run_scoped3A : memref<!tpu.dma_semaphore, #tpu.memory_space<semaphore_mem>>)
      %dma_wait3A = arith.constant 0 : i32
      %dma_wait3A_20 = tpu.memref_slice %arg2[%add3A, %dma_wait3A] : memref<32x10240xi32, #tpu.memory_space<hbm>> -> memref<1x10240xi32, #tpu.memory_space<hbm>>
      %dma_wait3A_21 = tpu.memref_squeeze %dma_wait3A_20 : memref<1x10240xi32, #tpu.memory_space<hbm>> -> memref<10240xi32, #tpu.memory_space<hbm>>
      %dma_wait3A_22 = arith.constant 0 : i32
      %dma_wait3A_23 = tpu.memref_slice %arg2[%add3A, %dma_wait3A_22] : memref<32x10240xi32, #tpu.memory_space<hbm>> -> memref<1x10240xi32, #tpu.memory_space<hbm>>
      %dma_wait3A_24 = tpu.memref_squeeze %dma_wait3A_23 : memref<1x10240xi32, #tpu.memory_space<hbm>> -> memref<10240xi32, #tpu.memory_space<hbm>>
      tpu.wait_dma2 semaphore(%run_scoped3A : memref<!tpu.dma_semaphore, #tpu.memory_space<semaphore_mem>>) src(%dma_wait3A_24 : memref<10240xi32, #tpu.memory_space<hbm>>) dst(%arg4 : memref<10240xi32, #tpu.memory_space<vmem>>)
      tpu.yield
    }) : () -> ()
    %broadcast_in_dim3A = arith.constant 0.000000e+00 : f32
    %broadcast_in_dim3A_1 = vector.broadcast %broadcast_in_dim3A : f32 to vector<16xf32>
    %scan3A = arith.constant 0 : i32
    %scan3A_2 = arith.constant 0 : i32
    %scan3A_3 = arith.constant 632 : i32
    %scan3A_4 = arith.addi %scan3A_2, %scan3A_3 : i32
    %scan3A_5 = arith.constant 1 : i32
    scf.for %scan3A_15 = %scan3A_2 to %scan3A_4 step %scan3A_5  : i32 {
      %mul3A_16 = arith.constant 16 : i32
      %mul3A_17 = arith.muli %scan3A_15, %mul3A_16 : i32
      %swap3A = arith.index_cast %mul3A_17 : i32 to index
      %swap3A_18 = tpu.vector_load %arg5[%swap3A] {strides = array<i32>} : memref<10112xf32, #tpu.memory_space<vmem>>, vector<16xf32>,
      tpu.vector_store %arg5[%swap3A], %broadcast_in_dim3A_1 {strides = array<i32>} : memref<10112xf32, #tpu.memory_space<vmem>>, vector<16xf32>,
    }
    %scan3A_6 = arith.constant 632 : i32
    %broadcast_in_dim3A_7 = arith.constant 1.000000e+00 : f32
    %broadcast_in_dim3A_8 = vector.broadcast %broadcast_in_dim3A_7 : f32 to vector<16xf32>
    %scan3A_9 = arith.constant 0 : i32
    %scan3A_10 = arith.constant 0 : i32
    %scan3A_11 = arith.constant 640 : i32
    %scan3A_12 = arith.addi %scan3A_10, %scan3A_11 : i32
    %scan3A_13 = arith.constant 1 : i32
    scf.for %scan3A_15 = %scan3A_10 to %scan3A_12 step %scan3A_13  : i32 {
      %mul3A_16 = arith.constant 16 : i32
      %mul3A_17 = arith.muli %scan3A_15, %mul3A_16 : i32
      %get3A = arith.index_cast %mul3A_17 : i32 to index
      %get3A_18 = tpu.vector_load %arg4[%get3A] {strides = array<i32>} : memref<10240xi32, #tpu.memory_space<vmem>>, vector<16xi32>,
      tpu.vector_store_idx %arg5[%get3A_18], %broadcast_in_dim3A_8 {add = true} : memref<10112xf32, #tpu.memory_space<vmem>>[vector<16xi32>], vector<16xf32>,
    }
    %scan3A_14 = arith.constant 640 : i32
    "tpu.region"() ({
      %run_scoped3A = tpu.sem_alloc : memref<!tpu.dma_semaphore, #tpu.memory_space<semaphore_mem>>
      %dma_start3A = arith.constant 0 : i32
      %dma_start3A_15 = tpu.memref_slice %arg3[%add3A, %dma_start3A] : memref<32x10112xf32, #tpu.memory_space<hbm>> -> memref<1x10112xf32, #tpu.memory_space<hbm>>
      %dma_start3A_16 = tpu.memref_squeeze %dma_start3A_15 : memref<1x10112xf32, #tpu.memory_space<hbm>> -> memref<10112xf32, #tpu.memory_space<hbm>>
      %dma_start3A_17 = arith.constant 0 : i32
      %dma_start3A_18 = tpu.memref_slice %arg3[%add3A, %dma_start3A_17] : memref<32x10112xf32, #tpu.memory_space<hbm>> -> memref<1x10112xf32, #tpu.memory_space<hbm>>
      %dma_start3A_19 = tpu.memref_squeeze %dma_start3A_18 : memref<1x10112xf32, #tpu.memory_space<hbm>> -> memref<10112xf32, #tpu.memory_space<hbm>>
      tpu.enqueue_dma source(%arg5 : memref<10112xf32, #tpu.memory_space<vmem>>) target(%dma_start3A_19 : memref<10112xf32, #tpu.memory_space<hbm>>) target_semaphore(%run_scoped3A : memref<!tpu.dma_semaphore, #tpu.memory_space<semaphore_mem>>)
      %dma_wait3A = arith.constant 0 : i32
      %dma_wait3A_20 = tpu.memref_slice %arg3[%add3A, %dma_wait3A] : memref<32x10112xf32, #tpu.memory_space<hbm>> -> memref<1x10112xf32, #tpu.memory_space<hbm>>
      %dma_wait3A_21 = tpu.memref_squeeze %dma_wait3A_20 : memref<1x10112xf32, #tpu.memory_space<hbm>> -> memref<10112xf32, #tpu.memory_space<hbm>>
      %dma_wait3A_22 = arith.constant 0 : i32
      %dma_wait3A_23 = tpu.memref_slice %arg3[%add3A, %dma_wait3A_22] : memref<32x10112xf32, #tpu.memory_space<hbm>> -> memref<1x10112xf32, #tpu.memory_space<hbm>>
      %dma_wait3A_24 = tpu.memref_squeeze %dma_wait3A_23 : memref<1x10112xf32, #tpu.memory_space<hbm>> -> memref<10112xf32, #tpu.memory_space<hbm>>
      tpu.wait_dma2 semaphore(%run_scoped3A : memref<!tpu.dma_semaphore, #tpu.memory_space<semaphore_mem>>) src(%arg5 : memref<10112xf32, #tpu.memory_space<vmem>>) dst(%dma_wait3A_24 : memref<10112xf32, #tpu.memory_space<hbm>>)
      tpu.yield
    }) : () -> ()
    return
  }
}

#map = affine_map<(d0, d1) -> (0, 0)>
#map1 = affine_map<(d0, d1) -> (0, 0, 0)>
module attributes {stable_mosaic.version = 14 : i64} {
  func.func @agg_kernel(%arg0: i32, %arg1: i32, %arg2: memref<10000x128xf32, #tpu.memory_space<hbm>>, %arg3: memref<32x120x128xi32, #tpu.memory_space<hbm>>, %arg4: memref<32x120x128xi32, #tpu.memory_space<hbm>>, %arg5: memref<10112x128xf32, #tpu.memory_space<hbm>>, %arg6: memref<20224x128xf32, #tpu.memory_space<hbm>>, %arg7: memref<40x128xi32, #tpu.memory_space<vmem>>, %arg8: memref<40x128xi32, #tpu.memory_space<vmem>>, %arg9: memref<2x128x128xf32, #tpu.memory_space<vmem>>, %arg10: memref<10112x128xf32, #tpu.memory_space<vmem_shared>>, %arg11: memref<!tpu.dma_semaphore, #tpu.memory_space<semaphore_mem>>, %arg12: memref<!tpu.dma_semaphore, #tpu.memory_space<semaphore_mem>>, %arg13: memref<!tpu.dma_semaphore, #tpu.memory_space<semaphore_mem>>, %arg14: memref<!tpu.dma_semaphore, #tpu.memory_space<semaphore_mem>>) attributes {dimension_semantics = [#tpu.dimension_semantics<core_parallel>, #tpu.dimension_semantics<subcore_parallel>], iteration_bounds = array<i64: 2, 16>, scalar_prefetch = 0 : i64, scratch_operands = 8 : i64, tpu.core_type = #tpu.core_type<sc_vector_subcore>, window_params = [{transform_indices = #map}, {transform_indices = #map1}, {transform_indices = #map1}, {transform_indices = #map}, {transform_indices = #map}]} {
    %mul3A = arith.constant 2 : i32
    %mul3A_0 = arith.muli %arg1, %mul3A : i32
    %add3A = arith.addi %mul3A_0, %arg0 : i32
    %eq3A = arith.constant 0 : i32
    %eq3A_1 = arith.cmpi eq, %arg0, %eq3A : i32
    %select_n3A = arith.constant 3 : i32
    %select_n3A_2 = arith.constant 1 : i32
    %select_n3A_3 = arith.select %eq3A_1, %select_n3A_2, %select_n3A : i32
    %mul3A_4 = arith.constant 632 : i32
    %mul3A_5 = arith.muli %arg1, %mul3A_4 : i32
    %mul3A_6 = arith.constant 632 : i32
    %mul3A_7 = arith.muli %arg1, %mul3A_6 : i32
    "tpu.region"() ({
      %run_scoped3A = tpu.sem_alloc : memref<!tpu.dma_semaphore, #tpu.memory_space<semaphore_mem>>
      %dma_start3A = arith.constant 0 : i32
      %dma_start3A_48 = tpu.memref_slice %arg10[%mul3A_7, %dma_start3A] : memref<10112x128xf32, #tpu.memory_space<vmem_shared>> -> memref<632x128xf32, #tpu.memory_space<vmem_shared>>
      %dma_start3A_49 = arith.constant 0 : i32
      %dma_start3A_50 = tpu.memref_slice %arg5[%mul3A_5, %dma_start3A_49] : memref<10112x128xf32, #tpu.memory_space<hbm>> -> memref<632x128xf32, #tpu.memory_space<hbm>>
      tpu.enqueue_dma source(%dma_start3A_50 : memref<632x128xf32, #tpu.memory_space<hbm>>) target(%dma_start3A_48 : memref<632x128xf32, #tpu.memory_space<vmem_shared>>) target_semaphore(%run_scoped3A : memref<!tpu.dma_semaphore, #tpu.memory_space<semaphore_mem>>)
      %dma_wait3A_51 = arith.constant 0 : i32
      %dma_wait3A_52 = tpu.memref_slice %arg10[%mul3A_7, %dma_wait3A_51] : memref<10112x128xf32, #tpu.memory_space<vmem_shared>> -> memref<632x128xf32, #tpu.memory_space<vmem_shared>>
      %dma_wait3A_53 = arith.constant 0 : i32
      %dma_wait3A_54 = tpu.memref_slice %arg5[%mul3A_5, %dma_wait3A_53] : memref<10112x128xf32, #tpu.memory_space<hbm>> -> memref<632x128xf32, #tpu.memory_space<hbm>>
      tpu.wait_dma2 semaphore(%run_scoped3A : memref<!tpu.dma_semaphore, #tpu.memory_space<semaphore_mem>>) src(%dma_wait3A_54 : memref<632x128xf32, #tpu.memory_space<hbm>>) dst(%dma_wait3A_52 : memref<632x128xf32, #tpu.memory_space<vmem_shared>>)
      tpu.yield
    }) : () -> ()
    %barrier3A = arith.constant 0 : index
    tpu.barrier barrier_id(%barrier3A)
    %while3A = arith.constant 0 : i32
    %while3A_8 = arith.constant 0 : i32
    %while3A_9 = arith.subi %select_n3A_3, %while3A_8 : i32
    %while3A_10 = arith.addi %while3A_8, %while3A_9 : i32
    %while3A_11 = arith.constant 1 : i32
    %while3A_12 = arith.divsi %while3A_9, %while3A_11 : i32
    %while3A_13 = arith.muli %while3A_12, %while3A_11 : i32
    %while3A_14 = arith.addi %while3A_8, %while3A_13 : i32
    %while3A_15 = arith.constant 1 : i32
    scf.for %while3A_48 = %while3A_8 to %while3A_14 step %while3A_15  : i32 {
      %gt3A = arith.constant 0 : i32
      %gt3A_49 = arith.cmpi sgt, %while3A_48, %gt3A : i32
      %convert_element_type3A = arith.extui %gt3A_49 : i1 to i32
      %cond3A = arith.constant 0 : i32
      %cond3A_50 = arith.cmpi ne, %convert_element_type3A, %cond3A : i32
      scf.if %cond3A_50 {
        %dma_wait3A_83 = arith.constant 0 : i32
        %dma_wait3A_84 = arith.constant 0 : i32
        %dma_wait3A_85 = arith.constant 0 : i32
        %dma_wait3A_86 = arith.constant 0 : i32
        %dma_wait3A_87 = tpu.memref_slice %arg9[%dma_wait3A_83, %dma_wait3A_85, %dma_wait3A_86] : memref<2x128x128xf32, #tpu.memory_space<vmem>> -> memref<1x128x128xf32, #tpu.memory_space<vmem>>
        %dma_wait3A_88 = tpu.memref_squeeze %dma_wait3A_87 : memref<1x128x128xf32, #tpu.memory_space<vmem>> -> memref<128x128xf32, #tpu.memory_space<vmem>>
        %dma_wait3A_89 = arith.constant 0 : i32
        %dma_wait3A_90 = tpu.memref_slice %arg8[%dma_wait3A_84, %dma_wait3A_89] : memref<40x128xi32, #tpu.memory_space<vmem>> -> memref<1x128xi32, #tpu.memory_space<vmem>>
        %dma_wait3A_91 = tpu.memref_squeeze %dma_wait3A_90 : memref<1x128xi32, #tpu.memory_space<vmem>> -> memref<128xi32, #tpu.memory_space<vmem>>
        %dma_wait3A_92 = arith.constant 0 : i32
        %dma_wait3A_93 = arith.constant 0 : i32
        %dma_wait3A_94 = tpu.memref_slice %arg10[%dma_wait3A_92, %dma_wait3A_93] : memref<10112x128xf32, #tpu.memory_space<vmem_shared>> -> memref<10112x128xf32, #tpu.memory_space<vmem_shared>>
        tpu.wait_indirect_dma semaphore(%arg13 : memref<!tpu.dma_semaphore, #tpu.memory_space<semaphore_mem>>) src(%dma_wait3A_88 : memref<128x128xf32, #tpu.memory_space<vmem>>) dst(%dma_wait3A_94 : memref<10112x128xf32, #tpu.memory_space<vmem_shared>>)
        %dma_wait3A_95 = arith.constant 1 : i32
        %dma_wait3A_96 = arith.constant 0 : i32
        %dma_wait3A_97 = arith.constant 0 : i32
        %dma_wait3A_98 = arith.constant 0 : i32
        %dma_wait3A_99 = tpu.memref_slice %arg9[%dma_wait3A_95, %dma_wait3A_97, %dma_wait3A_98] : memref<2x128x128xf32, #tpu.memory_space<vmem>> -> memref<1x128x128xf32, #tpu.memory_space<vmem>>
        %dma_wait3A_100 = tpu.memref_squeeze %dma_wait3A_99 : memref<1x128x128xf32, #tpu.memory_space<vmem>> -> memref<128x128xf32, #tpu.memory_space<vmem>>
        %dma_wait3A_101 = arith.constant 0 : i32
        %dma_wait3A_102 = tpu.memref_slice %arg8[%dma_wait3A_96, %dma_wait3A_101] : memref<40x128xi32, #tpu.memory_space<vmem>> -> memref<1x128xi32, #tpu.memory_space<vmem>>
        %dma_wait3A_103 = tpu.memref_squeeze %dma_wait3A_102 : memref<1x128xi32, #tpu.memory_space<vmem>> -> memref<128xi32, #tpu.memory_space<vmem>>
        %dma_wait3A_104 = arith.constant 0 : i32
        %dma_wait3A_105 = arith.constant 0 : i32
        %dma_wait3A_106 = tpu.memref_slice %arg10[%dma_wait3A_104, %dma_wait3A_105] : memref<10112x128xf32, #tpu.memory_space<vmem_shared>> -> memref<10112x128xf32, #tpu.memory_space<vmem_shared>>
        tpu.wait_indirect_dma semaphore(%arg14 : memref<!tpu.dma_semaphore, #tpu.memory_space<semaphore_mem>>) src(%dma_wait3A_100 : memref<128x128xf32, #tpu.memory_space<vmem>>) dst(%dma_wait3A_106 : memref<10112x128xf32, #tpu.memory_space<vmem_shared>>)
      } else {
      }
      %mul3A_51 = arith.constant 40 : i32
      %mul3A_52 = arith.muli %while3A_48, %mul3A_51 : i32
      "tpu.region"() ({
        %run_scoped3A = tpu.sem_alloc : memref<!tpu.dma_semaphore, #tpu.memory_space<semaphore_mem>>
        %dma_start3A_83 = arith.constant 0 : i32
        %dma_start3A_84 = tpu.memref_slice %arg3[%add3A, %mul3A_52, %dma_start3A_83] : memref<32x120x128xi32, #tpu.memory_space<hbm>> -> memref<1x40x128xi32, #tpu.memory_space<hbm>>
        %dma_start3A_85 = tpu.memref_squeeze %dma_start3A_84 : memref<1x40x128xi32, #tpu.memory_space<hbm>> -> memref<40x128xi32, #tpu.memory_space<hbm>>
        %dma_start3A_86 = arith.constant 0 : i32
        %dma_start3A_87 = tpu.memref_slice %arg3[%add3A, %mul3A_52, %dma_start3A_86] : memref<32x120x128xi32, #tpu.memory_space<hbm>> -> memref<1x40x128xi32, #tpu.memory_space<hbm>>
        %dma_start3A_88 = tpu.memref_squeeze %dma_start3A_87 : memref<1x40x128xi32, #tpu.memory_space<hbm>> -> memref<40x128xi32, #tpu.memory_space<hbm>>
        tpu.enqueue_dma source(%dma_start3A_88 : memref<40x128xi32, #tpu.memory_space<hbm>>) target(%arg7 : memref<40x128xi32, #tpu.memory_space<vmem>>) target_semaphore(%run_scoped3A : memref<!tpu.dma_semaphore, #tpu.memory_space<semaphore_mem>>)
        %dma_wait3A_89 = arith.constant 0 : i32
        %dma_wait3A_90 = tpu.memref_slice %arg3[%add3A, %mul3A_52, %dma_wait3A_89] : memref<32x120x128xi32, #tpu.memory_space<hbm>> -> memref<1x40x128xi32, #tpu.memory_space<hbm>>
        %dma_wait3A_91 = tpu.memref_squeeze %dma_wait3A_90 : memref<1x40x128xi32, #tpu.memory_space<hbm>> -> memref<40x128xi32, #tpu.memory_space<hbm>>
        %dma_wait3A_92 = arith.constant 0 : i32
        %dma_wait3A_93 = tpu.memref_slice %arg3[%add3A, %mul3A_52, %dma_wait3A_92] : memref<32x120x128xi32, #tpu.memory_space<hbm>> -> memref<1x40x128xi32, #tpu.memory_space<hbm>>
        %dma_wait3A_94 = tpu.memref_squeeze %dma_wait3A_93 : memref<1x40x128xi32, #tpu.memory_space<hbm>> -> memref<40x128xi32, #tpu.memory_space<hbm>>
        tpu.wait_dma2 semaphore(%run_scoped3A : memref<!tpu.dma_semaphore, #tpu.memory_space<semaphore_mem>>) src(%dma_wait3A_94 : memref<40x128xi32, #tpu.memory_space<hbm>>) dst(%arg7 : memref<40x128xi32, #tpu.memory_space<vmem>>)
        tpu.yield
      }) : () -> ()
      %mul3A_53 = arith.constant 40 : i32
      %mul3A_54 = arith.muli %while3A_48, %mul3A_53 : i32
      "tpu.region"() ({
        %run_scoped3A = tpu.sem_alloc : memref<!tpu.dma_semaphore, #tpu.memory_space<semaphore_mem>>
        %dma_start3A_83 = arith.constant 0 : i32
        %dma_start3A_84 = tpu.memref_slice %arg4[%add3A, %mul3A_54, %dma_start3A_83] : memref<32x120x128xi32, #tpu.memory_space<hbm>> -> memref<1x40x128xi32, #tpu.memory_space<hbm>>
        %dma_start3A_85 = tpu.memref_squeeze %dma_start3A_84 : memref<1x40x128xi32, #tpu.memory_space<hbm>> -> memref<40x128xi32, #tpu.memory_space<hbm>>
        %dma_start3A_86 = arith.constant 0 : i32
        %dma_start3A_87 = tpu.memref_slice %arg4[%add3A, %mul3A_54, %dma_start3A_86] : memref<32x120x128xi32, #tpu.memory_space<hbm>> -> memref<1x40x128xi32, #tpu.memory_space<hbm>>
        %dma_start3A_88 = tpu.memref_squeeze %dma_start3A_87 : memref<1x40x128xi32, #tpu.memory_space<hbm>> -> memref<40x128xi32, #tpu.memory_space<hbm>>
        tpu.enqueue_dma source(%dma_start3A_88 : memref<40x128xi32, #tpu.memory_space<hbm>>) target(%arg8 : memref<40x128xi32, #tpu.memory_space<vmem>>) target_semaphore(%run_scoped3A : memref<!tpu.dma_semaphore, #tpu.memory_space<semaphore_mem>>)
        %dma_wait3A_89 = arith.constant 0 : i32
        %dma_wait3A_90 = tpu.memref_slice %arg4[%add3A, %mul3A_54, %dma_wait3A_89] : memref<32x120x128xi32, #tpu.memory_space<hbm>> -> memref<1x40x128xi32, #tpu.memory_space<hbm>>
        %dma_wait3A_91 = tpu.memref_squeeze %dma_wait3A_90 : memref<1x40x128xi32, #tpu.memory_space<hbm>> -> memref<40x128xi32, #tpu.memory_space<hbm>>
        %dma_wait3A_92 = arith.constant 0 : i32
        %dma_wait3A_93 = tpu.memref_slice %arg4[%add3A, %mul3A_54, %dma_wait3A_92] : memref<32x120x128xi32, #tpu.memory_space<hbm>> -> memref<1x40x128xi32, #tpu.memory_space<hbm>>
        %dma_wait3A_94 = tpu.memref_squeeze %dma_wait3A_93 : memref<1x40x128xi32, #tpu.memory_space<hbm>> -> memref<40x128xi32, #tpu.memory_space<hbm>>
        tpu.wait_dma2 semaphore(%run_scoped3A : memref<!tpu.dma_semaphore, #tpu.memory_space<semaphore_mem>>) src(%dma_wait3A_94 : memref<40x128xi32, #tpu.memory_space<hbm>>) dst(%arg8 : memref<40x128xi32, #tpu.memory_space<vmem>>)
        tpu.yield
      }) : () -> ()
      %dma_start3A = arith.constant 0 : i32
      %dma_start3A_55 = arith.constant 0 : i32
      %dma_start3A_56 = arith.constant 0 : i32
      %dma_start3A_57 = arith.constant 0 : i32
      %dma_start3A_58 = tpu.memref_slice %arg9[%dma_start3A_55, %dma_start3A_56, %dma_start3A_57] : memref<2x128x128xf32, #tpu.memory_space<vmem>> -> memref<1x128x128xf32, #tpu.memory_space<vmem>>
      %dma_start3A_59 = tpu.memref_squeeze %dma_start3A_58 : memref<1x128x128xf32, #tpu.memory_space<vmem>> -> memref<128x128xf32, #tpu.memory_space<vmem>>
      %dma_start3A_60 = arith.constant 0 : i32
      %dma_start3A_61 = tpu.memref_slice %arg7[%dma_start3A, %dma_start3A_60] : memref<40x128xi32, #tpu.memory_space<vmem>> -> memref<1x128xi32, #tpu.memory_space<vmem>>
      %dma_start3A_62 = tpu.memref_squeeze %dma_start3A_61 : memref<1x128xi32, #tpu.memory_space<vmem>> -> memref<128xi32, #tpu.memory_space<vmem>>
      %dma_start3A_63 = arith.constant 0 : i32
      %dma_start3A_64 = arith.constant 0 : i32
      %dma_start3A_65 = tpu.memref_slice %arg2[%dma_start3A_63, %dma_start3A_64] : memref<10000x128xf32, #tpu.memory_space<hbm>> -> memref<10000x128xf32, #tpu.memory_space<hbm>>
      tpu.enqueue_indirect_dma source(%dma_start3A_65 : memref<10000x128xf32, #tpu.memory_space<hbm>>) target(%dma_start3A_59 : memref<128x128xf32, #tpu.memory_space<vmem>>) offsets(%dma_start3A_62 : memref<128xi32, #tpu.memory_space<vmem>>) semaphore(%arg11 : memref<!tpu.dma_semaphore, #tpu.memory_space<semaphore_mem>>)
      %dma_start3A_66 = arith.constant 1 : i32
      %dma_start3A_67 = arith.constant 1 : i32
      %dma_start3A_68 = arith.constant 0 : i32
      %dma_start3A_69 = arith.constant 0 : i32
      %dma_start3A_70 = tpu.memref_slice %arg9[%dma_start3A_67, %dma_start3A_68, %dma_start3A_69] : memref<2x128x128xf32, #tpu.memory_space<vmem>> -> memref<1x128x128xf32, #tpu.memory_space<vmem>>
      %dma_start3A_71 = tpu.memref_squeeze %dma_start3A_70 : memref<1x128x128xf32, #tpu.memory_space<vmem>> -> memref<128x128xf32, #tpu.memory_space<vmem>>
      %dma_start3A_72 = arith.constant 0 : i32
      %dma_start3A_73 = tpu.memref_slice %arg7[%dma_start3A_66, %dma_start3A_72] : memref<40x128xi32, #tpu.memory_space<vmem>> -> memref<1x128xi32, #tpu.memory_space<vmem>>
      %dma_start3A_74 = tpu.memref_squeeze %dma_start3A_73 : memref<1x128xi32, #tpu.memory_space<vmem>> -> memref<128xi32, #tpu.memory_space<vmem>>
      %dma_start3A_75 = arith.constant 0 : i32
      %dma_start3A_76 = arith.constant 0 : i32
      %dma_start3A_77 = tpu.memref_slice %arg2[%dma_start3A_75, %dma_start3A_76] : memref<10000x128xf32, #tpu.memory_space<hbm>> -> memref<10000x128xf32, #tpu.memory_space<hbm>>
      tpu.enqueue_indirect_dma source(%dma_start3A_77 : memref<10000x128xf32, #tpu.memory_space<hbm>>) target(%dma_start3A_71 : memref<128x128xf32, #tpu.memory_space<vmem>>) offsets(%dma_start3A_74 : memref<128xi32, #tpu.memory_space<vmem>>) semaphore(%arg12 : memref<!tpu.dma_semaphore, #tpu.memory_space<semaphore_mem>>)
      %scan3A = arith.constant 0 : i32
      %scan3A_78 = arith.constant 0 : i32
      %scan3A_79 = arith.constant 20 : i32
      %scan3A_80 = arith.addi %scan3A_78, %scan3A_79 : i32
      %scan3A_81 = arith.constant 1 : i32
      scf.for %scan3A_83 = %scan3A_78 to %scan3A_80 step %scan3A_81  : i32 {
        %mul3A_84 = arith.constant 2 : i32
        %mul3A_85 = arith.muli %mul3A_84, %scan3A_83 : i32
        %dma_wait3A_86 = arith.constant 0 : i32
        %dma_wait3A_87 = arith.constant 0 : i32
        %dma_wait3A_88 = arith.constant 0 : i32
        %dma_wait3A_89 = tpu.memref_slice %arg9[%dma_wait3A_86, %dma_wait3A_87, %dma_wait3A_88] : memref<2x128x128xf32, #tpu.memory_space<vmem>> -> memref<1x128x128xf32, #tpu.memory_space<vmem>>
        %dma_wait3A_90 = tpu.memref_squeeze %dma_wait3A_89 : memref<1x128x128xf32, #tpu.memory_space<vmem>> -> memref<128x128xf32, #tpu.memory_space<vmem>>
        %dma_wait3A_91 = arith.constant 0 : i32
        %dma_wait3A_92 = arith.constant 0 : i32
        %dma_wait3A_93 = tpu.memref_slice %arg2[%dma_wait3A_91, %dma_wait3A_92] : memref<10000x128xf32, #tpu.memory_space<hbm>> -> memref<128x128xf32, #tpu.memory_space<hbm>>
        %dma_wait3A_94 = arith.constant 0 : i32
        %dma_wait3A_95 = arith.constant 0 : i32
        %dma_wait3A_96 = tpu.memref_slice %arg9[%dma_wait3A_86, %dma_wait3A_94, %dma_wait3A_95] : memref<2x128x128xf32, #tpu.memory_space<vmem>> -> memref<1x128x128xf32, #tpu.memory_space<vmem>>
        %dma_wait3A_97 = tpu.memref_squeeze %dma_wait3A_96 : memref<1x128x128xf32, #tpu.memory_space<vmem>> -> memref<128x128xf32, #tpu.memory_space<vmem>>
        %dma_wait3A_98 = arith.constant 0 : i32
        %dma_wait3A_99 = arith.constant 0 : i32
        %dma_wait3A_100 = tpu.memref_slice %arg2[%dma_wait3A_98, %dma_wait3A_99] : memref<10000x128xf32, #tpu.memory_space<hbm>> -> memref<128x128xf32, #tpu.memory_space<hbm>>
        tpu.wait_dma2 semaphore(%arg11 : memref<!tpu.dma_semaphore, #tpu.memory_space<semaphore_mem>>) src(%dma_wait3A_100 : memref<128x128xf32, #tpu.memory_space<hbm>>) dst(%dma_wait3A_97 : memref<128x128xf32, #tpu.memory_space<vmem>>)
        %dma_start3A_101 = arith.constant 0 : i32
        %dma_start3A_102 = arith.constant 0 : i32
        %dma_start3A_103 = arith.constant 0 : i32
        %dma_start3A_104 = tpu.memref_slice %arg9[%dma_start3A_101, %dma_start3A_102, %dma_start3A_103] : memref<2x128x128xf32, #tpu.memory_space<vmem>> -> memref<1x128x128xf32, #tpu.memory_space<vmem>>
        %dma_start3A_105 = tpu.memref_squeeze %dma_start3A_104 : memref<1x128x128xf32, #tpu.memory_space<vmem>> -> memref<128x128xf32, #tpu.memory_space<vmem>>
        %dma_start3A_106 = arith.constant 0 : i32
        %dma_start3A_107 = tpu.memref_slice %arg8[%mul3A_85, %dma_start3A_106] : memref<40x128xi32, #tpu.memory_space<vmem>> -> memref<1x128xi32, #tpu.memory_space<vmem>>
        %dma_start3A_108 = tpu.memref_squeeze %dma_start3A_107 : memref<1x128xi32, #tpu.memory_space<vmem>> -> memref<128xi32, #tpu.memory_space<vmem>>
        %dma_start3A_109 = arith.constant 0 : i32
        %dma_start3A_110 = arith.constant 0 : i32
        %dma_start3A_111 = tpu.memref_slice %arg10[%dma_start3A_109, %dma_start3A_110] : memref<10112x128xf32, #tpu.memory_space<vmem_shared>> -> memref<10112x128xf32, #tpu.memory_space<vmem_shared>>
        tpu.enqueue_indirect_dma source(%dma_start3A_105 : memref<128x128xf32, #tpu.memory_space<vmem>>) target(%dma_start3A_111 : memref<10112x128xf32, #tpu.memory_space<vmem_shared>>) offsets(%dma_start3A_108 : memref<128xi32, #tpu.memory_space<vmem>>) semaphore(%arg13 : memref<!tpu.dma_semaphore, #tpu.memory_space<semaphore_mem>>) {add = true}
        %dma_wait3A_112 = arith.constant 1 : i32
        %dma_wait3A_113 = arith.constant 0 : i32
        %dma_wait3A_114 = arith.constant 0 : i32
        %dma_wait3A_115 = tpu.memref_slice %arg9[%dma_wait3A_112, %dma_wait3A_113, %dma_wait3A_114] : memref<2x128x128xf32, #tpu.memory_space<vmem>> -> memref<1x128x128xf32, #tpu.memory_space<vmem>>
        %dma_wait3A_116 = tpu.memref_squeeze %dma_wait3A_115 : memref<1x128x128xf32, #tpu.memory_space<vmem>> -> memref<128x128xf32, #tpu.memory_space<vmem>>
        %dma_wait3A_117 = arith.constant 0 : i32
        %dma_wait3A_118 = arith.constant 0 : i32
        %dma_wait3A_119 = tpu.memref_slice %arg2[%dma_wait3A_117, %dma_wait3A_118] : memref<10000x128xf32, #tpu.memory_space<hbm>> -> memref<128x128xf32, #tpu.memory_space<hbm>>
        %dma_wait3A_120 = arith.constant 0 : i32
        %dma_wait3A_121 = arith.constant 0 : i32
        %dma_wait3A_122 = tpu.memref_slice %arg9[%dma_wait3A_112, %dma_wait3A_120, %dma_wait3A_121] : memref<2x128x128xf32, #tpu.memory_space<vmem>> -> memref<1x128x128xf32, #tpu.memory_space<vmem>>
        %dma_wait3A_123 = tpu.memref_squeeze %dma_wait3A_122 : memref<1x128x128xf32, #tpu.memory_space<vmem>> -> memref<128x128xf32, #tpu.memory_space<vmem>>
        %dma_wait3A_124 = arith.constant 0 : i32
        %dma_wait3A_125 = arith.constant 0 : i32
        %dma_wait3A_126 = tpu.memref_slice %arg2[%dma_wait3A_124, %dma_wait3A_125] : memref<10000x128xf32, #tpu.memory_space<hbm>> -> memref<128x128xf32, #tpu.memory_space<hbm>>
        tpu.wait_dma2 semaphore(%arg12 : memref<!tpu.dma_semaphore, #tpu.memory_space<semaphore_mem>>) src(%dma_wait3A_126 : memref<128x128xf32, #tpu.memory_space<hbm>>) dst(%dma_wait3A_123 : memref<128x128xf32, #tpu.memory_space<vmem>>)
        %add3A_127 = arith.constant 1 : i32
        %add3A_128 = arith.addi %mul3A_85, %add3A_127 : i32
        %dma_start3A_129 = arith.constant 1 : i32
        %dma_start3A_130 = arith.constant 0 : i32
        %dma_start3A_131 = arith.constant 0 : i32
        %dma_start3A_132 = tpu.memref_slice %arg9[%dma_start3A_129, %dma_start3A_130, %dma_start3A_131] : memref<2x128x128xf32, #tpu.memory_space<vmem>> -> memref<1x128x128xf32, #tpu.memory_space<vmem>>
        %dma_start3A_133 = tpu.memref_squeeze %dma_start3A_132 : memref<1x128x128xf32, #tpu.memory_space<vmem>> -> memref<128x128xf32, #tpu.memory_space<vmem>>
        %dma_start3A_134 = arith.constant 0 : i32
        %dma_start3A_135 = tpu.memref_slice %arg8[%add3A_128, %dma_start3A_134] : memref<40x128xi32, #tpu.memory_space<vmem>> -> memref<1x128xi32, #tpu.memory_space<vmem>>
        %dma_start3A_136 = tpu.memref_squeeze %dma_start3A_135 : memref<1x128xi32, #tpu.memory_space<vmem>> -> memref<128xi32, #tpu.memory_space<vmem>>
        %dma_start3A_137 = arith.constant 0 : i32
        %dma_start3A_138 = arith.constant 0 : i32
        %dma_start3A_139 = tpu.memref_slice %arg10[%dma_start3A_137, %dma_start3A_138] : memref<10112x128xf32, #tpu.memory_space<vmem_shared>> -> memref<10112x128xf32, #tpu.memory_space<vmem_shared>>
        tpu.enqueue_indirect_dma source(%dma_start3A_133 : memref<128x128xf32, #tpu.memory_space<vmem>>) target(%dma_start3A_139 : memref<10112x128xf32, #tpu.memory_space<vmem_shared>>) offsets(%dma_start3A_136 : memref<128xi32, #tpu.memory_space<vmem>>) semaphore(%arg14 : memref<!tpu.dma_semaphore, #tpu.memory_space<semaphore_mem>>) {add = true}
        %lt3A = arith.constant 19 : i32
        %lt3A_140 = arith.cmpi slt, %scan3A_83, %lt3A : i32
        %convert_element_type3A_141 = arith.extui %lt3A_140 : i1 to i32
        %cond3A_142 = arith.constant 0 : i32
        %cond3A_143 = arith.cmpi ne, %convert_element_type3A_141, %cond3A_142 : i32
        scf.if %cond3A_143 {
          %dma_wait3A_144 = arith.constant 0 : i32
          %dma_wait3A_145 = arith.constant 0 : i32
          %dma_wait3A_146 = arith.constant 0 : i32
          %dma_wait3A_147 = arith.constant 0 : i32
          %dma_wait3A_148 = tpu.memref_slice %arg9[%dma_wait3A_144, %dma_wait3A_146, %dma_wait3A_147] : memref<2x128x128xf32, #tpu.memory_space<vmem>> -> memref<1x128x128xf32, #tpu.memory_space<vmem>>
          %dma_wait3A_149 = tpu.memref_squeeze %dma_wait3A_148 : memref<1x128x128xf32, #tpu.memory_space<vmem>> -> memref<128x128xf32, #tpu.memory_space<vmem>>
          %dma_wait3A_150 = arith.constant 0 : i32
          %dma_wait3A_151 = tpu.memref_slice %arg8[%dma_wait3A_145, %dma_wait3A_150] : memref<40x128xi32, #tpu.memory_space<vmem>> -> memref<1x128xi32, #tpu.memory_space<vmem>>
          %dma_wait3A_152 = tpu.memref_squeeze %dma_wait3A_151 : memref<1x128xi32, #tpu.memory_space<vmem>> -> memref<128xi32, #tpu.memory_space<vmem>>
          %dma_wait3A_153 = arith.constant 0 : i32
          %dma_wait3A_154 = arith.constant 0 : i32
          %dma_wait3A_155 = tpu.memref_slice %arg10[%dma_wait3A_153, %dma_wait3A_154] : memref<10112x128xf32, #tpu.memory_space<vmem_shared>> -> memref<10112x128xf32, #tpu.memory_space<vmem_shared>>
          tpu.wait_indirect_dma semaphore(%arg13 : memref<!tpu.dma_semaphore, #tpu.memory_space<semaphore_mem>>) src(%dma_wait3A_149 : memref<128x128xf32, #tpu.memory_space<vmem>>) dst(%dma_wait3A_155 : memref<10112x128xf32, #tpu.memory_space<vmem_shared>>)
          %add3A_156 = arith.constant 2 : i32
          %add3A_157 = arith.addi %mul3A_85, %add3A_156 : i32
          %dma_start3A_158 = arith.constant 0 : i32
          %dma_start3A_159 = arith.constant 0 : i32
          %dma_start3A_160 = arith.constant 0 : i32
          %dma_start3A_161 = tpu.memref_slice %arg9[%dma_start3A_158, %dma_start3A_159, %dma_start3A_160] : memref<2x128x128xf32, #tpu.memory_space<vmem>> -> memref<1x128x128xf32, #tpu.memory_space<vmem>>
          %dma_start3A_162 = tpu.memref_squeeze %dma_start3A_161 : memref<1x128x128xf32, #tpu.memory_space<vmem>> -> memref<128x128xf32, #tpu.memory_space<vmem>>
          %dma_start3A_163 = arith.constant 0 : i32
          %dma_start3A_164 = tpu.memref_slice %arg7[%add3A_157, %dma_start3A_163] : memref<40x128xi32, #tpu.memory_space<vmem>> -> memref<1x128xi32, #tpu.memory_space<vmem>>
          %dma_start3A_165 = tpu.memref_squeeze %dma_start3A_164 : memref<1x128xi32, #tpu.memory_space<vmem>> -> memref<128xi32, #tpu.memory_space<vmem>>
          %dma_start3A_166 = arith.constant 0 : i32
          %dma_start3A_167 = arith.constant 0 : i32
          %dma_start3A_168 = tpu.memref_slice %arg2[%dma_start3A_166, %dma_start3A_167] : memref<10000x128xf32, #tpu.memory_space<hbm>> -> memref<10000x128xf32, #tpu.memory_space<hbm>>
          tpu.enqueue_indirect_dma source(%dma_start3A_168 : memref<10000x128xf32, #tpu.memory_space<hbm>>) target(%dma_start3A_162 : memref<128x128xf32, #tpu.memory_space<vmem>>) offsets(%dma_start3A_165 : memref<128xi32, #tpu.memory_space<vmem>>) semaphore(%arg11 : memref<!tpu.dma_semaphore, #tpu.memory_space<semaphore_mem>>)
          %dma_wait3A_169 = arith.constant 1 : i32
          %dma_wait3A_170 = arith.constant 0 : i32
          %dma_wait3A_171 = arith.constant 0 : i32
          %dma_wait3A_172 = arith.constant 0 : i32
          %dma_wait3A_173 = tpu.memref_slice %arg9[%dma_wait3A_169, %dma_wait3A_171, %dma_wait3A_172] : memref<2x128x128xf32, #tpu.memory_space<vmem>> -> memref<1x128x128xf32, #tpu.memory_space<vmem>>
          %dma_wait3A_174 = tpu.memref_squeeze %dma_wait3A_173 : memref<1x128x128xf32, #tpu.memory_space<vmem>> -> memref<128x128xf32, #tpu.memory_space<vmem>>
          %dma_wait3A_175 = arith.constant 0 : i32
          %dma_wait3A_176 = tpu.memref_slice %arg8[%dma_wait3A_170, %dma_wait3A_175] : memref<40x128xi32, #tpu.memory_space<vmem>> -> memref<1x128xi32, #tpu.memory_space<vmem>>
          %dma_wait3A_177 = tpu.memref_squeeze %dma_wait3A_176 : memref<1x128xi32, #tpu.memory_space<vmem>> -> memref<128xi32, #tpu.memory_space<vmem>>
          %dma_wait3A_178 = arith.constant 0 : i32
          %dma_wait3A_179 = arith.constant 0 : i32
          %dma_wait3A_180 = tpu.memref_slice %arg10[%dma_wait3A_178, %dma_wait3A_179] : memref<10112x128xf32, #tpu.memory_space<vmem_shared>> -> memref<10112x128xf32, #tpu.memory_space<vmem_shared>>
          tpu.wait_indirect_dma semaphore(%arg14 : memref<!tpu.dma_semaphore, #tpu.memory_space<semaphore_mem>>) src(%dma_wait3A_174 : memref<128x128xf32, #tpu.memory_space<vmem>>) dst(%dma_wait3A_180 : memref<10112x128xf32, #tpu.memory_space<vmem_shared>>)
          %add3A_181 = arith.constant 3 : i32
          %add3A_182 = arith.addi %mul3A_85, %add3A_181 : i32
          %dma_start3A_183 = arith.constant 1 : i32
          %dma_start3A_184 = arith.constant 0 : i32
          %dma_start3A_185 = arith.constant 0 : i32
          %dma_start3A_186 = tpu.memref_slice %arg9[%dma_start3A_183, %dma_start3A_184, %dma_start3A_185] : memref<2x128x128xf32, #tpu.memory_space<vmem>> -> memref<1x128x128xf32, #tpu.memory_space<vmem>>
          %dma_start3A_187 = tpu.memref_squeeze %dma_start3A_186 : memref<1x128x128xf32, #tpu.memory_space<vmem>> -> memref<128x128xf32, #tpu.memory_space<vmem>>
          %dma_start3A_188 = arith.constant 0 : i32
          %dma_start3A_189 = tpu.memref_slice %arg7[%add3A_182, %dma_start3A_188] : memref<40x128xi32, #tpu.memory_space<vmem>> -> memref<1x128xi32, #tpu.memory_space<vmem>>
          %dma_start3A_190 = tpu.memref_squeeze %dma_start3A_189 : memref<1x128xi32, #tpu.memory_space<vmem>> -> memref<128xi32, #tpu.memory_space<vmem>>
          %dma_start3A_191 = arith.constant 0 : i32
          %dma_start3A_192 = arith.constant 0 : i32
          %dma_start3A_193 = tpu.memref_slice %arg2[%dma_start3A_191, %dma_start3A_192] : memref<10000x128xf32, #tpu.memory_space<hbm>> -> memref<10000x128xf32, #tpu.memory_space<hbm>>
          tpu.enqueue_indirect_dma source(%dma_start3A_193 : memref<10000x128xf32, #tpu.memory_space<hbm>>) target(%dma_start3A_187 : memref<128x128xf32, #tpu.memory_space<vmem>>) offsets(%dma_start3A_190 : memref<128xi32, #tpu.memory_space<vmem>>) semaphore(%arg12 : memref<!tpu.dma_semaphore, #tpu.memory_space<semaphore_mem>>)
        } else {
        }
      }
      %scan3A_82 = arith.constant 20 : i32
    }
    %while3A_16 = arith.constant 1 : i32
    scf.for %while3A_48 = %while3A_14 to %while3A_10 step %while3A_16  : i32 {
      %gt3A = arith.constant 0 : i32
      %gt3A_49 = arith.cmpi sgt, %while3A_48, %gt3A : i32
      %convert_element_type3A = arith.extui %gt3A_49 : i1 to i32
      %cond3A = arith.constant 0 : i32
      %cond3A_50 = arith.cmpi ne, %convert_element_type3A, %cond3A : i32
      scf.if %cond3A_50 {
        %dma_wait3A_83 = arith.constant 0 : i32
        %dma_wait3A_84 = arith.constant 0 : i32
        %dma_wait3A_85 = arith.constant 0 : i32
        %dma_wait3A_86 = arith.constant 0 : i32
        %dma_wait3A_87 = tpu.memref_slice %arg9[%dma_wait3A_83, %dma_wait3A_85, %dma_wait3A_86] : memref<2x128x128xf32, #tpu.memory_space<vmem>> -> memref<1x128x128xf32, #tpu.memory_space<vmem>>
        %dma_wait3A_88 = tpu.memref_squeeze %dma_wait3A_87 : memref<1x128x128xf32, #tpu.memory_space<vmem>> -> memref<128x128xf32, #tpu.memory_space<vmem>>
        %dma_wait3A_89 = arith.constant 0 : i32
        %dma_wait3A_90 = tpu.memref_slice %arg8[%dma_wait3A_84, %dma_wait3A_89] : memref<40x128xi32, #tpu.memory_space<vmem>> -> memref<1x128xi32, #tpu.memory_space<vmem>>
        %dma_wait3A_91 = tpu.memref_squeeze %dma_wait3A_90 : memref<1x128xi32, #tpu.memory_space<vmem>> -> memref<128xi32, #tpu.memory_space<vmem>>
        %dma_wait3A_92 = arith.constant 0 : i32
        %dma_wait3A_93 = arith.constant 0 : i32
        %dma_wait3A_94 = tpu.memref_slice %arg10[%dma_wait3A_92, %dma_wait3A_93] : memref<10112x128xf32, #tpu.memory_space<vmem_shared>> -> memref<10112x128xf32, #tpu.memory_space<vmem_shared>>
        tpu.wait_indirect_dma semaphore(%arg13 : memref<!tpu.dma_semaphore, #tpu.memory_space<semaphore_mem>>) src(%dma_wait3A_88 : memref<128x128xf32, #tpu.memory_space<vmem>>) dst(%dma_wait3A_94 : memref<10112x128xf32, #tpu.memory_space<vmem_shared>>)
        %dma_wait3A_95 = arith.constant 1 : i32
        %dma_wait3A_96 = arith.constant 0 : i32
        %dma_wait3A_97 = arith.constant 0 : i32
        %dma_wait3A_98 = arith.constant 0 : i32
        %dma_wait3A_99 = tpu.memref_slice %arg9[%dma_wait3A_95, %dma_wait3A_97, %dma_wait3A_98] : memref<2x128x128xf32, #tpu.memory_space<vmem>> -> memref<1x128x128xf32, #tpu.memory_space<vmem>>
        %dma_wait3A_100 = tpu.memref_squeeze %dma_wait3A_99 : memref<1x128x128xf32, #tpu.memory_space<vmem>> -> memref<128x128xf32, #tpu.memory_space<vmem>>
        %dma_wait3A_101 = arith.constant 0 : i32
        %dma_wait3A_102 = tpu.memref_slice %arg8[%dma_wait3A_96, %dma_wait3A_101] : memref<40x128xi32, #tpu.memory_space<vmem>> -> memref<1x128xi32, #tpu.memory_space<vmem>>
        %dma_wait3A_103 = tpu.memref_squeeze %dma_wait3A_102 : memref<1x128xi32, #tpu.memory_space<vmem>> -> memref<128xi32, #tpu.memory_space<vmem>>
        %dma_wait3A_104 = arith.constant 0 : i32
        %dma_wait3A_105 = arith.constant 0 : i32
        %dma_wait3A_106 = tpu.memref_slice %arg10[%dma_wait3A_104, %dma_wait3A_105] : memref<10112x128xf32, #tpu.memory_space<vmem_shared>> -> memref<10112x128xf32, #tpu.memory_space<vmem_shared>>
        tpu.wait_indirect_dma semaphore(%arg14 : memref<!tpu.dma_semaphore, #tpu.memory_space<semaphore_mem>>) src(%dma_wait3A_100 : memref<128x128xf32, #tpu.memory_space<vmem>>) dst(%dma_wait3A_106 : memref<10112x128xf32, #tpu.memory_space<vmem_shared>>)
      } else {
      }
      %mul3A_51 = arith.constant 40 : i32
      %mul3A_52 = arith.muli %while3A_48, %mul3A_51 : i32
      "tpu.region"() ({
        %run_scoped3A = tpu.sem_alloc : memref<!tpu.dma_semaphore, #tpu.memory_space<semaphore_mem>>
        %dma_start3A_83 = arith.constant 0 : i32
        %dma_start3A_84 = tpu.memref_slice %arg3[%add3A, %mul3A_52, %dma_start3A_83] : memref<32x120x128xi32, #tpu.memory_space<hbm>> -> memref<1x40x128xi32, #tpu.memory_space<hbm>>
        %dma_start3A_85 = tpu.memref_squeeze %dma_start3A_84 : memref<1x40x128xi32, #tpu.memory_space<hbm>> -> memref<40x128xi32, #tpu.memory_space<hbm>>
        %dma_start3A_86 = arith.constant 0 : i32
        %dma_start3A_87 = tpu.memref_slice %arg3[%add3A, %mul3A_52, %dma_start3A_86] : memref<32x120x128xi32, #tpu.memory_space<hbm>> -> memref<1x40x128xi32, #tpu.memory_space<hbm>>
        %dma_start3A_88 = tpu.memref_squeeze %dma_start3A_87 : memref<1x40x128xi32, #tpu.memory_space<hbm>> -> memref<40x128xi32, #tpu.memory_space<hbm>>
        tpu.enqueue_dma source(%dma_start3A_88 : memref<40x128xi32, #tpu.memory_space<hbm>>) target(%arg7 : memref<40x128xi32, #tpu.memory_space<vmem>>) target_semaphore(%run_scoped3A : memref<!tpu.dma_semaphore, #tpu.memory_space<semaphore_mem>>)
        %dma_wait3A_89 = arith.constant 0 : i32
        %dma_wait3A_90 = tpu.memref_slice %arg3[%add3A, %mul3A_52, %dma_wait3A_89] : memref<32x120x128xi32, #tpu.memory_space<hbm>> -> memref<1x40x128xi32, #tpu.memory_space<hbm>>
        %dma_wait3A_91 = tpu.memref_squeeze %dma_wait3A_90 : memref<1x40x128xi32, #tpu.memory_space<hbm>> -> memref<40x128xi32, #tpu.memory_space<hbm>>
        %dma_wait3A_92 = arith.constant 0 : i32
        %dma_wait3A_93 = tpu.memref_slice %arg3[%add3A, %mul3A_52, %dma_wait3A_92] : memref<32x120x128xi32, #tpu.memory_space<hbm>> -> memref<1x40x128xi32, #tpu.memory_space<hbm>>
        %dma_wait3A_94 = tpu.memref_squeeze %dma_wait3A_93 : memref<1x40x128xi32, #tpu.memory_space<hbm>> -> memref<40x128xi32, #tpu.memory_space<hbm>>
        tpu.wait_dma2 semaphore(%run_scoped3A : memref<!tpu.dma_semaphore, #tpu.memory_space<semaphore_mem>>) src(%dma_wait3A_94 : memref<40x128xi32, #tpu.memory_space<hbm>>) dst(%arg7 : memref<40x128xi32, #tpu.memory_space<vmem>>)
        tpu.yield
      }) : () -> ()
      %mul3A_53 = arith.constant 40 : i32
      %mul3A_54 = arith.muli %while3A_48, %mul3A_53 : i32
      "tpu.region"() ({
        %run_scoped3A = tpu.sem_alloc : memref<!tpu.dma_semaphore, #tpu.memory_space<semaphore_mem>>
        %dma_start3A_83 = arith.constant 0 : i32
        %dma_start3A_84 = tpu.memref_slice %arg4[%add3A, %mul3A_54, %dma_start3A_83] : memref<32x120x128xi32, #tpu.memory_space<hbm>> -> memref<1x40x128xi32, #tpu.memory_space<hbm>>
        %dma_start3A_85 = tpu.memref_squeeze %dma_start3A_84 : memref<1x40x128xi32, #tpu.memory_space<hbm>> -> memref<40x128xi32, #tpu.memory_space<hbm>>
        %dma_start3A_86 = arith.constant 0 : i32
        %dma_start3A_87 = tpu.memref_slice %arg4[%add3A, %mul3A_54, %dma_start3A_86] : memref<32x120x128xi32, #tpu.memory_space<hbm>> -> memref<1x40x128xi32, #tpu.memory_space<hbm>>
        %dma_start3A_88 = tpu.memref_squeeze %dma_start3A_87 : memref<1x40x128xi32, #tpu.memory_space<hbm>> -> memref<40x128xi32, #tpu.memory_space<hbm>>
        tpu.enqueue_dma source(%dma_start3A_88 : memref<40x128xi32, #tpu.memory_space<hbm>>) target(%arg8 : memref<40x128xi32, #tpu.memory_space<vmem>>) target_semaphore(%run_scoped3A : memref<!tpu.dma_semaphore, #tpu.memory_space<semaphore_mem>>)
        %dma_wait3A_89 = arith.constant 0 : i32
        %dma_wait3A_90 = tpu.memref_slice %arg4[%add3A, %mul3A_54, %dma_wait3A_89] : memref<32x120x128xi32, #tpu.memory_space<hbm>> -> memref<1x40x128xi32, #tpu.memory_space<hbm>>
        %dma_wait3A_91 = tpu.memref_squeeze %dma_wait3A_90 : memref<1x40x128xi32, #tpu.memory_space<hbm>> -> memref<40x128xi32, #tpu.memory_space<hbm>>
        %dma_wait3A_92 = arith.constant 0 : i32
        %dma_wait3A_93 = tpu.memref_slice %arg4[%add3A, %mul3A_54, %dma_wait3A_92] : memref<32x120x128xi32, #tpu.memory_space<hbm>> -> memref<1x40x128xi32, #tpu.memory_space<hbm>>
        %dma_wait3A_94 = tpu.memref_squeeze %dma_wait3A_93 : memref<1x40x128xi32, #tpu.memory_space<hbm>> -> memref<40x128xi32, #tpu.memory_space<hbm>>
        tpu.wait_dma2 semaphore(%run_scoped3A : memref<!tpu.dma_semaphore, #tpu.memory_space<semaphore_mem>>) src(%dma_wait3A_94 : memref<40x128xi32, #tpu.memory_space<hbm>>) dst(%arg8 : memref<40x128xi32, #tpu.memory_space<vmem>>)
        tpu.yield
      }) : () -> ()
      %dma_start3A = arith.constant 0 : i32
      %dma_start3A_55 = arith.constant 0 : i32
      %dma_start3A_56 = arith.constant 0 : i32
      %dma_start3A_57 = arith.constant 0 : i32
      %dma_start3A_58 = tpu.memref_slice %arg9[%dma_start3A_55, %dma_start3A_56, %dma_start3A_57] : memref<2x128x128xf32, #tpu.memory_space<vmem>> -> memref<1x128x128xf32, #tpu.memory_space<vmem>>
      %dma_start3A_59 = tpu.memref_squeeze %dma_start3A_58 : memref<1x128x128xf32, #tpu.memory_space<vmem>> -> memref<128x128xf32, #tpu.memory_space<vmem>>
      %dma_start3A_60 = arith.constant 0 : i32
      %dma_start3A_61 = tpu.memref_slice %arg7[%dma_start3A, %dma_start3A_60] : memref<40x128xi32, #tpu.memory_space<vmem>> -> memref<1x128xi32, #tpu.memory_space<vmem>>
      %dma_start3A_62 = tpu.memref_squeeze %dma_start3A_61 : memref<1x128xi32, #tpu.memory_space<vmem>> -> memref<128xi32, #tpu.memory_space<vmem>>
      %dma_start3A_63 = arith.constant 0 : i32
      %dma_start3A_64 = arith.constant 0 : i32
      %dma_start3A_65 = tpu.memref_slice %arg2[%dma_start3A_63, %dma_start3A_64] : memref<10000x128xf32, #tpu.memory_space<hbm>> -> memref<10000x128xf32, #tpu.memory_space<hbm>>
      tpu.enqueue_indirect_dma source(%dma_start3A_65 : memref<10000x128xf32, #tpu.memory_space<hbm>>) target(%dma_start3A_59 : memref<128x128xf32, #tpu.memory_space<vmem>>) offsets(%dma_start3A_62 : memref<128xi32, #tpu.memory_space<vmem>>) semaphore(%arg11 : memref<!tpu.dma_semaphore, #tpu.memory_space<semaphore_mem>>)
      %dma_start3A_66 = arith.constant 1 : i32
      %dma_start3A_67 = arith.constant 1 : i32
      %dma_start3A_68 = arith.constant 0 : i32
      %dma_start3A_69 = arith.constant 0 : i32
      %dma_start3A_70 = tpu.memref_slice %arg9[%dma_start3A_67, %dma_start3A_68, %dma_start3A_69] : memref<2x128x128xf32, #tpu.memory_space<vmem>> -> memref<1x128x128xf32, #tpu.memory_space<vmem>>
      %dma_start3A_71 = tpu.memref_squeeze %dma_start3A_70 : memref<1x128x128xf32, #tpu.memory_space<vmem>> -> memref<128x128xf32, #tpu.memory_space<vmem>>
      %dma_start3A_72 = arith.constant 0 : i32
      %dma_start3A_73 = tpu.memref_slice %arg7[%dma_start3A_66, %dma_start3A_72] : memref<40x128xi32, #tpu.memory_space<vmem>> -> memref<1x128xi32, #tpu.memory_space<vmem>>
      %dma_start3A_74 = tpu.memref_squeeze %dma_start3A_73 : memref<1x128xi32, #tpu.memory_space<vmem>> -> memref<128xi32, #tpu.memory_space<vmem>>
      %dma_start3A_75 = arith.constant 0 : i32
      %dma_start3A_76 = arith.constant 0 : i32
      %dma_start3A_77 = tpu.memref_slice %arg2[%dma_start3A_75, %dma_start3A_76] : memref<10000x128xf32, #tpu.memory_space<hbm>> -> memref<10000x128xf32, #tpu.memory_space<hbm>>
      tpu.enqueue_indirect_dma source(%dma_start3A_77 : memref<10000x128xf32, #tpu.memory_space<hbm>>) target(%dma_start3A_71 : memref<128x128xf32, #tpu.memory_space<vmem>>) offsets(%dma_start3A_74 : memref<128xi32, #tpu.memory_space<vmem>>) semaphore(%arg12 : memref<!tpu.dma_semaphore, #tpu.memory_space<semaphore_mem>>)
      %scan3A = arith.constant 0 : i32
      %scan3A_78 = arith.constant 0 : i32
      %scan3A_79 = arith.constant 20 : i32
      %scan3A_80 = arith.addi %scan3A_78, %scan3A_79 : i32
      %scan3A_81 = arith.constant 1 : i32
      scf.for %scan3A_83 = %scan3A_78 to %scan3A_80 step %scan3A_81  : i32 {
        %mul3A_84 = arith.constant 2 : i32
        %mul3A_85 = arith.muli %mul3A_84, %scan3A_83 : i32
        %dma_wait3A_86 = arith.constant 0 : i32
        %dma_wait3A_87 = arith.constant 0 : i32
        %dma_wait3A_88 = arith.constant 0 : i32
        %dma_wait3A_89 = tpu.memref_slice %arg9[%dma_wait3A_86, %dma_wait3A_87, %dma_wait3A_88] : memref<2x128x128xf32, #tpu.memory_space<vmem>> -> memref<1x128x128xf32, #tpu.memory_space<vmem>>
        %dma_wait3A_90 = tpu.memref_squeeze %dma_wait3A_89 : memref<1x128x128xf32, #tpu.memory_space<vmem>> -> memref<128x128xf32, #tpu.memory_space<vmem>>
        %dma_wait3A_91 = arith.constant 0 : i32
        %dma_wait3A_92 = arith.constant 0 : i32
        %dma_wait3A_93 = tpu.memref_slice %arg2[%dma_wait3A_91, %dma_wait3A_92] : memref<10000x128xf32, #tpu.memory_space<hbm>> -> memref<128x128xf32, #tpu.memory_space<hbm>>
        %dma_wait3A_94 = arith.constant 0 : i32
        %dma_wait3A_95 = arith.constant 0 : i32
        %dma_wait3A_96 = tpu.memref_slice %arg9[%dma_wait3A_86, %dma_wait3A_94, %dma_wait3A_95] : memref<2x128x128xf32, #tpu.memory_space<vmem>> -> memref<1x128x128xf32, #tpu.memory_space<vmem>>
        %dma_wait3A_97 = tpu.memref_squeeze %dma_wait3A_96 : memref<1x128x128xf32, #tpu.memory_space<vmem>> -> memref<128x128xf32, #tpu.memory_space<vmem>>
        %dma_wait3A_98 = arith.constant 0 : i32
        %dma_wait3A_99 = arith.constant 0 : i32
        %dma_wait3A_100 = tpu.memref_slice %arg2[%dma_wait3A_98, %dma_wait3A_99] : memref<10000x128xf32, #tpu.memory_space<hbm>> -> memref<128x128xf32, #tpu.memory_space<hbm>>
        tpu.wait_dma2 semaphore(%arg11 : memref<!tpu.dma_semaphore, #tpu.memory_space<semaphore_mem>>) src(%dma_wait3A_100 : memref<128x128xf32, #tpu.memory_space<hbm>>) dst(%dma_wait3A_97 : memref<128x128xf32, #tpu.memory_space<vmem>>)
        %dma_start3A_101 = arith.constant 0 : i32
        %dma_start3A_102 = arith.constant 0 : i32
        %dma_start3A_103 = arith.constant 0 : i32
        %dma_start3A_104 = tpu.memref_slice %arg9[%dma_start3A_101, %dma_start3A_102, %dma_start3A_103] : memref<2x128x128xf32, #tpu.memory_space<vmem>> -> memref<1x128x128xf32, #tpu.memory_space<vmem>>
        %dma_start3A_105 = tpu.memref_squeeze %dma_start3A_104 : memref<1x128x128xf32, #tpu.memory_space<vmem>> -> memref<128x128xf32, #tpu.memory_space<vmem>>
        %dma_start3A_106 = arith.constant 0 : i32
        %dma_start3A_107 = tpu.memref_slice %arg8[%mul3A_85, %dma_start3A_106] : memref<40x128xi32, #tpu.memory_space<vmem>> -> memref<1x128xi32, #tpu.memory_space<vmem>>
        %dma_start3A_108 = tpu.memref_squeeze %dma_start3A_107 : memref<1x128xi32, #tpu.memory_space<vmem>> -> memref<128xi32, #tpu.memory_space<vmem>>
        %dma_start3A_109 = arith.constant 0 : i32
        %dma_start3A_110 = arith.constant 0 : i32
        %dma_start3A_111 = tpu.memref_slice %arg10[%dma_start3A_109, %dma_start3A_110] : memref<10112x128xf32, #tpu.memory_space<vmem_shared>> -> memref<10112x128xf32, #tpu.memory_space<vmem_shared>>
        tpu.enqueue_indirect_dma source(%dma_start3A_105 : memref<128x128xf32, #tpu.memory_space<vmem>>) target(%dma_start3A_111 : memref<10112x128xf32, #tpu.memory_space<vmem_shared>>) offsets(%dma_start3A_108 : memref<128xi32, #tpu.memory_space<vmem>>) semaphore(%arg13 : memref<!tpu.dma_semaphore, #tpu.memory_space<semaphore_mem>>) {add = true}
        %dma_wait3A_112 = arith.constant 1 : i32
        %dma_wait3A_113 = arith.constant 0 : i32
        %dma_wait3A_114 = arith.constant 0 : i32
        %dma_wait3A_115 = tpu.memref_slice %arg9[%dma_wait3A_112, %dma_wait3A_113, %dma_wait3A_114] : memref<2x128x128xf32, #tpu.memory_space<vmem>> -> memref<1x128x128xf32, #tpu.memory_space<vmem>>
        %dma_wait3A_116 = tpu.memref_squeeze %dma_wait3A_115 : memref<1x128x128xf32, #tpu.memory_space<vmem>> -> memref<128x128xf32, #tpu.memory_space<vmem>>
        %dma_wait3A_117 = arith.constant 0 : i32
        %dma_wait3A_118 = arith.constant 0 : i32
        %dma_wait3A_119 = tpu.memref_slice %arg2[%dma_wait3A_117, %dma_wait3A_118] : memref<10000x128xf32, #tpu.memory_space<hbm>> -> memref<128x128xf32, #tpu.memory_space<hbm>>
        %dma_wait3A_120 = arith.constant 0 : i32
        %dma_wait3A_121 = arith.constant 0 : i32
        %dma_wait3A_122 = tpu.memref_slice %arg9[%dma_wait3A_112, %dma_wait3A_120, %dma_wait3A_121] : memref<2x128x128xf32, #tpu.memory_space<vmem>> -> memref<1x128x128xf32, #tpu.memory_space<vmem>>
        %dma_wait3A_123 = tpu.memref_squeeze %dma_wait3A_122 : memref<1x128x128xf32, #tpu.memory_space<vmem>> -> memref<128x128xf32, #tpu.memory_space<vmem>>
        %dma_wait3A_124 = arith.constant 0 : i32
        %dma_wait3A_125 = arith.constant 0 : i32
        %dma_wait3A_126 = tpu.memref_slice %arg2[%dma_wait3A_124, %dma_wait3A_125] : memref<10000x128xf32, #tpu.memory_space<hbm>> -> memref<128x128xf32, #tpu.memory_space<hbm>>
        tpu.wait_dma2 semaphore(%arg12 : memref<!tpu.dma_semaphore, #tpu.memory_space<semaphore_mem>>) src(%dma_wait3A_126 : memref<128x128xf32, #tpu.memory_space<hbm>>) dst(%dma_wait3A_123 : memref<128x128xf32, #tpu.memory_space<vmem>>)
        %add3A_127 = arith.constant 1 : i32
        %add3A_128 = arith.addi %mul3A_85, %add3A_127 : i32
        %dma_start3A_129 = arith.constant 1 : i32
        %dma_start3A_130 = arith.constant 0 : i32
        %dma_start3A_131 = arith.constant 0 : i32
        %dma_start3A_132 = tpu.memref_slice %arg9[%dma_start3A_129, %dma_start3A_130, %dma_start3A_131] : memref<2x128x128xf32, #tpu.memory_space<vmem>> -> memref<1x128x128xf32, #tpu.memory_space<vmem>>
        %dma_start3A_133 = tpu.memref_squeeze %dma_start3A_132 : memref<1x128x128xf32, #tpu.memory_space<vmem>> -> memref<128x128xf32, #tpu.memory_space<vmem>>
        %dma_start3A_134 = arith.constant 0 : i32
        %dma_start3A_135 = tpu.memref_slice %arg8[%add3A_128, %dma_start3A_134] : memref<40x128xi32, #tpu.memory_space<vmem>> -> memref<1x128xi32, #tpu.memory_space<vmem>>
        %dma_start3A_136 = tpu.memref_squeeze %dma_start3A_135 : memref<1x128xi32, #tpu.memory_space<vmem>> -> memref<128xi32, #tpu.memory_space<vmem>>
        %dma_start3A_137 = arith.constant 0 : i32
        %dma_start3A_138 = arith.constant 0 : i32
        %dma_start3A_139 = tpu.memref_slice %arg10[%dma_start3A_137, %dma_start3A_138] : memref<10112x128xf32, #tpu.memory_space<vmem_shared>> -> memref<10112x128xf32, #tpu.memory_space<vmem_shared>>
        tpu.enqueue_indirect_dma source(%dma_start3A_133 : memref<128x128xf32, #tpu.memory_space<vmem>>) target(%dma_start3A_139 : memref<10112x128xf32, #tpu.memory_space<vmem_shared>>) offsets(%dma_start3A_136 : memref<128xi32, #tpu.memory_space<vmem>>) semaphore(%arg14 : memref<!tpu.dma_semaphore, #tpu.memory_space<semaphore_mem>>) {add = true}
        %lt3A = arith.constant 19 : i32
        %lt3A_140 = arith.cmpi slt, %scan3A_83, %lt3A : i32
        %convert_element_type3A_141 = arith.extui %lt3A_140 : i1 to i32
        %cond3A_142 = arith.constant 0 : i32
        %cond3A_143 = arith.cmpi ne, %convert_element_type3A_141, %cond3A_142 : i32
        scf.if %cond3A_143 {
          %dma_wait3A_144 = arith.constant 0 : i32
          %dma_wait3A_145 = arith.constant 0 : i32
          %dma_wait3A_146 = arith.constant 0 : i32
          %dma_wait3A_147 = arith.constant 0 : i32
          %dma_wait3A_148 = tpu.memref_slice %arg9[%dma_wait3A_144, %dma_wait3A_146, %dma_wait3A_147] : memref<2x128x128xf32, #tpu.memory_space<vmem>> -> memref<1x128x128xf32, #tpu.memory_space<vmem>>
          %dma_wait3A_149 = tpu.memref_squeeze %dma_wait3A_148 : memref<1x128x128xf32, #tpu.memory_space<vmem>> -> memref<128x128xf32, #tpu.memory_space<vmem>>
          %dma_wait3A_150 = arith.constant 0 : i32
          %dma_wait3A_151 = tpu.memref_slice %arg8[%dma_wait3A_145, %dma_wait3A_150] : memref<40x128xi32, #tpu.memory_space<vmem>> -> memref<1x128xi32, #tpu.memory_space<vmem>>
          %dma_wait3A_152 = tpu.memref_squeeze %dma_wait3A_151 : memref<1x128xi32, #tpu.memory_space<vmem>> -> memref<128xi32, #tpu.memory_space<vmem>>
          %dma_wait3A_153 = arith.constant 0 : i32
          %dma_wait3A_154 = arith.constant 0 : i32
          %dma_wait3A_155 = tpu.memref_slice %arg10[%dma_wait3A_153, %dma_wait3A_154] : memref<10112x128xf32, #tpu.memory_space<vmem_shared>> -> memref<10112x128xf32, #tpu.memory_space<vmem_shared>>
          tpu.wait_indirect_dma semaphore(%arg13 : memref<!tpu.dma_semaphore, #tpu.memory_space<semaphore_mem>>) src(%dma_wait3A_149 : memref<128x128xf32, #tpu.memory_space<vmem>>) dst(%dma_wait3A_155 : memref<10112x128xf32, #tpu.memory_space<vmem_shared>>)
          %add3A_156 = arith.constant 2 : i32
          %add3A_157 = arith.addi %mul3A_85, %add3A_156 : i32
          %dma_start3A_158 = arith.constant 0 : i32
          %dma_start3A_159 = arith.constant 0 : i32
          %dma_start3A_160 = arith.constant 0 : i32
          %dma_start3A_161 = tpu.memref_slice %arg9[%dma_start3A_158, %dma_start3A_159, %dma_start3A_160] : memref<2x128x128xf32, #tpu.memory_space<vmem>> -> memref<1x128x128xf32, #tpu.memory_space<vmem>>
          %dma_start3A_162 = tpu.memref_squeeze %dma_start3A_161 : memref<1x128x128xf32, #tpu.memory_space<vmem>> -> memref<128x128xf32, #tpu.memory_space<vmem>>
          %dma_start3A_163 = arith.constant 0 : i32
          %dma_start3A_164 = tpu.memref_slice %arg7[%add3A_157, %dma_start3A_163] : memref<40x128xi32, #tpu.memory_space<vmem>> -> memref<1x128xi32, #tpu.memory_space<vmem>>
          %dma_start3A_165 = tpu.memref_squeeze %dma_start3A_164 : memref<1x128xi32, #tpu.memory_space<vmem>> -> memref<128xi32, #tpu.memory_space<vmem>>
          %dma_start3A_166 = arith.constant 0 : i32
          %dma_start3A_167 = arith.constant 0 : i32
          %dma_start3A_168 = tpu.memref_slice %arg2[%dma_start3A_166, %dma_start3A_167] : memref<10000x128xf32, #tpu.memory_space<hbm>> -> memref<10000x128xf32, #tpu.memory_space<hbm>>
          tpu.enqueue_indirect_dma source(%dma_start3A_168 : memref<10000x128xf32, #tpu.memory_space<hbm>>) target(%dma_start3A_162 : memref<128x128xf32, #tpu.memory_space<vmem>>) offsets(%dma_start3A_165 : memref<128xi32, #tpu.memory_space<vmem>>) semaphore(%arg11 : memref<!tpu.dma_semaphore, #tpu.memory_space<semaphore_mem>>)
          %dma_wait3A_169 = arith.constant 1 : i32
          %dma_wait3A_170 = arith.constant 0 : i32
          %dma_wait3A_171 = arith.constant 0 : i32
          %dma_wait3A_172 = arith.constant 0 : i32
          %dma_wait3A_173 = tpu.memref_slice %arg9[%dma_wait3A_169, %dma_wait3A_171, %dma_wait3A_172] : memref<2x128x128xf32, #tpu.memory_space<vmem>> -> memref<1x128x128xf32, #tpu.memory_space<vmem>>
          %dma_wait3A_174 = tpu.memref_squeeze %dma_wait3A_173 : memref<1x128x128xf32, #tpu.memory_space<vmem>> -> memref<128x128xf32, #tpu.memory_space<vmem>>
          %dma_wait3A_175 = arith.constant 0 : i32
          %dma_wait3A_176 = tpu.memref_slice %arg8[%dma_wait3A_170, %dma_wait3A_175] : memref<40x128xi32, #tpu.memory_space<vmem>> -> memref<1x128xi32, #tpu.memory_space<vmem>>
          %dma_wait3A_177 = tpu.memref_squeeze %dma_wait3A_176 : memref<1x128xi32, #tpu.memory_space<vmem>> -> memref<128xi32, #tpu.memory_space<vmem>>
          %dma_wait3A_178 = arith.constant 0 : i32
          %dma_wait3A_179 = arith.constant 0 : i32
          %dma_wait3A_180 = tpu.memref_slice %arg10[%dma_wait3A_178, %dma_wait3A_179] : memref<10112x128xf32, #tpu.memory_space<vmem_shared>> -> memref<10112x128xf32, #tpu.memory_space<vmem_shared>>
          tpu.wait_indirect_dma semaphore(%arg14 : memref<!tpu.dma_semaphore, #tpu.memory_space<semaphore_mem>>) src(%dma_wait3A_174 : memref<128x128xf32, #tpu.memory_space<vmem>>) dst(%dma_wait3A_180 : memref<10112x128xf32, #tpu.memory_space<vmem_shared>>)
          %add3A_181 = arith.constant 3 : i32
          %add3A_182 = arith.addi %mul3A_85, %add3A_181 : i32
          %dma_start3A_183 = arith.constant 1 : i32
          %dma_start3A_184 = arith.constant 0 : i32
          %dma_start3A_185 = arith.constant 0 : i32
          %dma_start3A_186 = tpu.memref_slice %arg9[%dma_start3A_183, %dma_start3A_184, %dma_start3A_185] : memref<2x128x128xf32, #tpu.memory_space<vmem>> -> memref<1x128x128xf32, #tpu.memory_space<vmem>>
          %dma_start3A_187 = tpu.memref_squeeze %dma_start3A_186 : memref<1x128x128xf32, #tpu.memory_space<vmem>> -> memref<128x128xf32, #tpu.memory_space<vmem>>
          %dma_start3A_188 = arith.constant 0 : i32
          %dma_start3A_189 = tpu.memref_slice %arg7[%add3A_182, %dma_start3A_188] : memref<40x128xi32, #tpu.memory_space<vmem>> -> memref<1x128xi32, #tpu.memory_space<vmem>>
          %dma_start3A_190 = tpu.memref_squeeze %dma_start3A_189 : memref<1x128xi32, #tpu.memory_space<vmem>> -> memref<128xi32, #tpu.memory_space<vmem>>
          %dma_start3A_191 = arith.constant 0 : i32
          %dma_start3A_192 = arith.constant 0 : i32
          %dma_start3A_193 = tpu.memref_slice %arg2[%dma_start3A_191, %dma_start3A_192] : memref<10000x128xf32, #tpu.memory_space<hbm>> -> memref<10000x128xf32, #tpu.memory_space<hbm>>
          tpu.enqueue_indirect_dma source(%dma_start3A_193 : memref<10000x128xf32, #tpu.memory_space<hbm>>) target(%dma_start3A_187 : memref<128x128xf32, #tpu.memory_space<vmem>>) offsets(%dma_start3A_190 : memref<128xi32, #tpu.memory_space<vmem>>) semaphore(%arg12 : memref<!tpu.dma_semaphore, #tpu.memory_space<semaphore_mem>>)
        } else {
        }
      }
      %scan3A_82 = arith.constant 20 : i32
    }
    %dma_wait3A = arith.constant 0 : i32
    %dma_wait3A_17 = arith.constant 0 : i32
    %dma_wait3A_18 = arith.constant 0 : i32
    %dma_wait3A_19 = arith.constant 0 : i32
    %dma_wait3A_20 = tpu.memref_slice %arg9[%dma_wait3A, %dma_wait3A_18, %dma_wait3A_19] : memref<2x128x128xf32, #tpu.memory_space<vmem>> -> memref<1x128x128xf32, #tpu.memory_space<vmem>>
    %dma_wait3A_21 = tpu.memref_squeeze %dma_wait3A_20 : memref<1x128x128xf32, #tpu.memory_space<vmem>> -> memref<128x128xf32, #tpu.memory_space<vmem>>
    %dma_wait3A_22 = arith.constant 0 : i32
    %dma_wait3A_23 = tpu.memref_slice %arg8[%dma_wait3A_17, %dma_wait3A_22] : memref<40x128xi32, #tpu.memory_space<vmem>> -> memref<1x128xi32, #tpu.memory_space<vmem>>
    %dma_wait3A_24 = tpu.memref_squeeze %dma_wait3A_23 : memref<1x128xi32, #tpu.memory_space<vmem>> -> memref<128xi32, #tpu.memory_space<vmem>>
    %dma_wait3A_25 = arith.constant 0 : i32
    %dma_wait3A_26 = arith.constant 0 : i32
    %dma_wait3A_27 = tpu.memref_slice %arg10[%dma_wait3A_25, %dma_wait3A_26] : memref<10112x128xf32, #tpu.memory_space<vmem_shared>> -> memref<10112x128xf32, #tpu.memory_space<vmem_shared>>
    tpu.wait_indirect_dma semaphore(%arg13 : memref<!tpu.dma_semaphore, #tpu.memory_space<semaphore_mem>>) src(%dma_wait3A_21 : memref<128x128xf32, #tpu.memory_space<vmem>>) dst(%dma_wait3A_27 : memref<10112x128xf32, #tpu.memory_space<vmem_shared>>)
    %dma_wait3A_28 = arith.constant 1 : i32
    %dma_wait3A_29 = arith.constant 0 : i32
    %dma_wait3A_30 = arith.constant 0 : i32
    %dma_wait3A_31 = arith.constant 0 : i32
    %dma_wait3A_32 = tpu.memref_slice %arg9[%dma_wait3A_28, %dma_wait3A_30, %dma_wait3A_31] : memref<2x128x128xf32, #tpu.memory_space<vmem>> -> memref<1x128x128xf32, #tpu.memory_space<vmem>>
    %dma_wait3A_33 = tpu.memref_squeeze %dma_wait3A_32 : memref<1x128x128xf32, #tpu.memory_space<vmem>> -> memref<128x128xf32, #tpu.memory_space<vmem>>
    %dma_wait3A_34 = arith.constant 0 : i32
    %dma_wait3A_35 = tpu.memref_slice %arg8[%dma_wait3A_29, %dma_wait3A_34] : memref<40x128xi32, #tpu.memory_space<vmem>> -> memref<1x128xi32, #tpu.memory_space<vmem>>
    %dma_wait3A_36 = tpu.memref_squeeze %dma_wait3A_35 : memref<1x128xi32, #tpu.memory_space<vmem>> -> memref<128xi32, #tpu.memory_space<vmem>>
    %dma_wait3A_37 = arith.constant 0 : i32
    %dma_wait3A_38 = arith.constant 0 : i32
    %dma_wait3A_39 = tpu.memref_slice %arg10[%dma_wait3A_37, %dma_wait3A_38] : memref<10112x128xf32, #tpu.memory_space<vmem_shared>> -> memref<10112x128xf32, #tpu.memory_space<vmem_shared>>
    tpu.wait_indirect_dma semaphore(%arg14 : memref<!tpu.dma_semaphore, #tpu.memory_space<semaphore_mem>>) src(%dma_wait3A_33 : memref<128x128xf32, #tpu.memory_space<vmem>>) dst(%dma_wait3A_39 : memref<10112x128xf32, #tpu.memory_space<vmem_shared>>)
    %barrier3A_40 = arith.constant 0 : index
    tpu.barrier barrier_id(%barrier3A_40)
    %mul3A_41 = arith.constant 632 : i32
    %mul3A_42 = arith.muli %arg1, %mul3A_41 : i32
    %mul3A_43 = arith.constant 10112 : i32
    %mul3A_44 = arith.muli %arg0, %mul3A_43 : i32
    %mul3A_45 = arith.constant 632 : i32
    %mul3A_46 = arith.muli %arg1, %mul3A_45 : i32
    %add3A_47 = arith.addi %mul3A_44, %mul3A_46 : i32
    "tpu.region"() ({
      %run_scoped3A = tpu.sem_alloc : memref<!tpu.dma_semaphore, #tpu.memory_space<semaphore_mem>>
      %dma_start3A = arith.constant 0 : i32
      %dma_start3A_48 = tpu.memref_slice %arg6[%add3A_47, %dma_start3A] : memref<20224x128xf32, #tpu.memory_space<hbm>> -> memref<632x128xf32, #tpu.memory_space<hbm>>
      %dma_start3A_49 = arith.constant 0 : i32
      %dma_start3A_50 = tpu.memref_slice %arg10[%mul3A_42, %dma_start3A_49] : memref<10112x128xf32, #tpu.memory_space<vmem_shared>> -> memref<632x128xf32, #tpu.memory_space<vmem_shared>>
      tpu.enqueue_dma source(%dma_start3A_50 : memref<632x128xf32, #tpu.memory_space<vmem_shared>>) target(%dma_start3A_48 : memref<632x128xf32, #tpu.memory_space<hbm>>) target_semaphore(%run_scoped3A : memref<!tpu.dma_semaphore, #tpu.memory_space<semaphore_mem>>)
      %dma_wait3A_51 = arith.constant 0 : i32
      %dma_wait3A_52 = tpu.memref_slice %arg6[%add3A_47, %dma_wait3A_51] : memref<20224x128xf32, #tpu.memory_space<hbm>> -> memref<632x128xf32, #tpu.memory_space<hbm>>
      %dma_wait3A_53 = arith.constant 0 : i32
      %dma_wait3A_54 = tpu.memref_slice %arg10[%mul3A_42, %dma_wait3A_53] : memref<10112x128xf32, #tpu.memory_space<vmem_shared>> -> memref<632x128xf32, #tpu.memory_space<vmem_shared>>
      tpu.wait_dma2 semaphore(%run_scoped3A : memref<!tpu.dma_semaphore, #tpu.memory_space<semaphore_mem>>) src(%dma_wait3A_54 : memref<632x128xf32, #tpu.memory_space<vmem_shared>>) dst(%dma_wait3A_52 : memref<632x128xf32, #tpu.memory_space<hbm>>)
      tpu.yield
    }) : () -> ()
    return
  }
}

#map = affine_map<(d0, d1) -> (0, 0)>
#map1 = affine_map<(d0, d1) -> (0, 0, 0)>
module attributes {stable_mosaic.version = 14 : i64} {
  func.func @agg_kernel(%arg0: i32, %arg1: i32, %arg2: memref<10000x128xf32, #tpu.memory_space<hbm>>, %arg3: memref<32x120x128xi32, #tpu.memory_space<hbm>>, %arg4: memref<32x120x128xi32, #tpu.memory_space<hbm>>, %arg5: memref<10112x128xf32, #tpu.memory_space<hbm>>, %arg6: memref<20224x128xf32, #tpu.memory_space<hbm>>, %arg7: memref<40x128xi32, #tpu.memory_space<vmem>>, %arg8: memref<40x128xi32, #tpu.memory_space<vmem>>, %arg9: memref<2x128x128xf32, #tpu.memory_space<vmem>>, %arg10: memref<10112x128xf32, #tpu.memory_space<vmem_shared>>, %arg11: memref<!tpu.dma_semaphore, #tpu.memory_space<semaphore_mem>>, %arg12: memref<!tpu.dma_semaphore, #tpu.memory_space<semaphore_mem>>, %arg13: memref<!tpu.dma_semaphore, #tpu.memory_space<semaphore_mem>>, %arg14: memref<!tpu.dma_semaphore, #tpu.memory_space<semaphore_mem>>) attributes {dimension_semantics = [#tpu.dimension_semantics<core_parallel>, #tpu.dimension_semantics<subcore_parallel>], iteration_bounds = array<i64: 2, 16>, scalar_prefetch = 0 : i64, scratch_operands = 8 : i64, tpu.core_type = #tpu.core_type<sc_vector_subcore>, window_params = [{transform_indices = #map}, {transform_indices = #map1}, {transform_indices = #map1}, {transform_indices = #map}, {transform_indices = #map}]} {
    %mul3A = arith.constant 2 : i32
    %mul3A_0 = arith.muli %arg1, %mul3A : i32
    %add3A = arith.addi %mul3A_0, %arg0 : i32
    %eq3A = arith.constant 0 : i32
    %eq3A_1 = arith.cmpi eq, %arg0, %eq3A : i32
    %select_n3A = arith.constant 3 : i32
    %select_n3A_2 = arith.constant 1 : i32
    %select_n3A_3 = arith.select %eq3A_1, %select_n3A_2, %select_n3A : i32
    %mul3A_4 = arith.constant 632 : i32
    %mul3A_5 = arith.muli %arg1, %mul3A_4 : i32
    %mul3A_6 = arith.constant 632 : i32
    %mul3A_7 = arith.muli %arg1, %mul3A_6 : i32
    "tpu.region"() ({
      %run_scoped3A = tpu.sem_alloc : memref<!tpu.dma_semaphore, #tpu.memory_space<semaphore_mem>>
      %dma_start3A = arith.constant 0 : i32
      %dma_start3A_48 = tpu.memref_slice %arg10[%mul3A_7, %dma_start3A] : memref<10112x128xf32, #tpu.memory_space<vmem_shared>> -> memref<632x128xf32, #tpu.memory_space<vmem_shared>>
      %dma_start3A_49 = arith.constant 0 : i32
      %dma_start3A_50 = tpu.memref_slice %arg5[%mul3A_5, %dma_start3A_49] : memref<10112x128xf32, #tpu.memory_space<hbm>> -> memref<632x128xf32, #tpu.memory_space<hbm>>
      tpu.enqueue_dma source(%dma_start3A_50 : memref<632x128xf32, #tpu.memory_space<hbm>>) target(%dma_start3A_48 : memref<632x128xf32, #tpu.memory_space<vmem_shared>>) target_semaphore(%run_scoped3A : memref<!tpu.dma_semaphore, #tpu.memory_space<semaphore_mem>>)
      %dma_wait3A_51 = arith.constant 0 : i32
      %dma_wait3A_52 = tpu.memref_slice %arg10[%mul3A_7, %dma_wait3A_51] : memref<10112x128xf32, #tpu.memory_space<vmem_shared>> -> memref<632x128xf32, #tpu.memory_space<vmem_shared>>
      %dma_wait3A_53 = arith.constant 0 : i32
      %dma_wait3A_54 = tpu.memref_slice %arg5[%mul3A_5, %dma_wait3A_53] : memref<10112x128xf32, #tpu.memory_space<hbm>> -> memref<632x128xf32, #tpu.memory_space<hbm>>
      tpu.wait_dma2 semaphore(%run_scoped3A : memref<!tpu.dma_semaphore, #tpu.memory_space<semaphore_mem>>) src(%dma_wait3A_54 : memref<632x128xf32, #tpu.memory_space<hbm>>) dst(%dma_wait3A_52 : memref<632x128xf32, #tpu.memory_space<vmem_shared>>)
      tpu.yield
    }) : () -> ()
    %barrier3A = arith.constant 0 : index
    tpu.barrier barrier_id(%barrier3A)
    %while3A = arith.constant 0 : i32
    %while3A_8 = arith.constant 0 : i32
    %while3A_9 = arith.subi %select_n3A_3, %while3A_8 : i32
    %while3A_10 = arith.addi %while3A_8, %while3A_9 : i32
    %while3A_11 = arith.constant 1 : i32
    %while3A_12 = arith.divsi %while3A_9, %while3A_11 : i32
    %while3A_13 = arith.muli %while3A_12, %while3A_11 : i32
    %while3A_14 = arith.addi %while3A_8, %while3A_13 : i32
    %while3A_15 = arith.constant 1 : i32
    scf.for %while3A_48 = %while3A_8 to %while3A_14 step %while3A_15  : i32 {
      %gt3A = arith.constant 0 : i32
      %gt3A_49 = arith.cmpi sgt, %while3A_48, %gt3A : i32
      %convert_element_type3A = arith.extui %gt3A_49 : i1 to i32
      %cond3A = arith.constant 0 : i32
      %cond3A_50 = arith.cmpi ne, %convert_element_type3A, %cond3A : i32
      scf.if %cond3A_50 {
        %dma_wait3A_83 = arith.constant 0 : i32
        %dma_wait3A_84 = arith.constant 0 : i32
        %dma_wait3A_85 = arith.constant 0 : i32
        %dma_wait3A_86 = arith.constant 0 : i32
        %dma_wait3A_87 = tpu.memref_slice %arg9[%dma_wait3A_83, %dma_wait3A_85, %dma_wait3A_86] : memref<2x128x128xf32, #tpu.memory_space<vmem>> -> memref<1x128x128xf32, #tpu.memory_space<vmem>>
        %dma_wait3A_88 = tpu.memref_squeeze %dma_wait3A_87 : memref<1x128x128xf32, #tpu.memory_space<vmem>> -> memref<128x128xf32, #tpu.memory_space<vmem>>
        %dma_wait3A_89 = arith.constant 0 : i32
        %dma_wait3A_90 = tpu.memref_slice %arg8[%dma_wait3A_84, %dma_wait3A_89] : memref<40x128xi32, #tpu.memory_space<vmem>> -> memref<1x128xi32, #tpu.memory_space<vmem>>
        %dma_wait3A_91 = tpu.memref_squeeze %dma_wait3A_90 : memref<1x128xi32, #tpu.memory_space<vmem>> -> memref<128xi32, #tpu.memory_space<vmem>>
        %dma_wait3A_92 = arith.constant 0 : i32
        %dma_wait3A_93 = arith.constant 0 : i32
        %dma_wait3A_94 = tpu.memref_slice %arg10[%dma_wait3A_92, %dma_wait3A_93] : memref<10112x128xf32, #tpu.memory_space<vmem_shared>> -> memref<10112x128xf32, #tpu.memory_space<vmem_shared>>
        tpu.wait_indirect_dma semaphore(%arg13 : memref<!tpu.dma_semaphore, #tpu.memory_space<semaphore_mem>>) src(%dma_wait3A_88 : memref<128x128xf32, #tpu.memory_space<vmem>>) dst(%dma_wait3A_94 : memref<10112x128xf32, #tpu.memory_space<vmem_shared>>)
        %dma_wait3A_95 = arith.constant 1 : i32
        %dma_wait3A_96 = arith.constant 0 : i32
        %dma_wait3A_97 = arith.constant 0 : i32
        %dma_wait3A_98 = arith.constant 0 : i32
        %dma_wait3A_99 = tpu.memref_slice %arg9[%dma_wait3A_95, %dma_wait3A_97, %dma_wait3A_98] : memref<2x128x128xf32, #tpu.memory_space<vmem>> -> memref<1x128x128xf32, #tpu.memory_space<vmem>>
        %dma_wait3A_100 = tpu.memref_squeeze %dma_wait3A_99 : memref<1x128x128xf32, #tpu.memory_space<vmem>> -> memref<128x128xf32, #tpu.memory_space<vmem>>
        %dma_wait3A_101 = arith.constant 0 : i32
        %dma_wait3A_102 = tpu.memref_slice %arg8[%dma_wait3A_96, %dma_wait3A_101] : memref<40x128xi32, #tpu.memory_space<vmem>> -> memref<1x128xi32, #tpu.memory_space<vmem>>
        %dma_wait3A_103 = tpu.memref_squeeze %dma_wait3A_102 : memref<1x128xi32, #tpu.memory_space<vmem>> -> memref<128xi32, #tpu.memory_space<vmem>>
        %dma_wait3A_104 = arith.constant 0 : i32
        %dma_wait3A_105 = arith.constant 0 : i32
        %dma_wait3A_106 = tpu.memref_slice %arg10[%dma_wait3A_104, %dma_wait3A_105] : memref<10112x128xf32, #tpu.memory_space<vmem_shared>> -> memref<10112x128xf32, #tpu.memory_space<vmem_shared>>
        tpu.wait_indirect_dma semaphore(%arg14 : memref<!tpu.dma_semaphore, #tpu.memory_space<semaphore_mem>>) src(%dma_wait3A_100 : memref<128x128xf32, #tpu.memory_space<vmem>>) dst(%dma_wait3A_106 : memref<10112x128xf32, #tpu.memory_space<vmem_shared>>)
      } else {
      }
      %mul3A_51 = arith.constant 40 : i32
      %mul3A_52 = arith.muli %while3A_48, %mul3A_51 : i32
      "tpu.region"() ({
        %run_scoped3A = tpu.sem_alloc : memref<!tpu.dma_semaphore, #tpu.memory_space<semaphore_mem>>
        %dma_start3A_83 = arith.constant 0 : i32
        %dma_start3A_84 = tpu.memref_slice %arg3[%add3A, %mul3A_52, %dma_start3A_83] : memref<32x120x128xi32, #tpu.memory_space<hbm>> -> memref<1x40x128xi32, #tpu.memory_space<hbm>>
        %dma_start3A_85 = tpu.memref_squeeze %dma_start3A_84 : memref<1x40x128xi32, #tpu.memory_space<hbm>> -> memref<40x128xi32, #tpu.memory_space<hbm>>
        %dma_start3A_86 = arith.constant 0 : i32
        %dma_start3A_87 = tpu.memref_slice %arg3[%add3A, %mul3A_52, %dma_start3A_86] : memref<32x120x128xi32, #tpu.memory_space<hbm>> -> memref<1x40x128xi32, #tpu.memory_space<hbm>>
        %dma_start3A_88 = tpu.memref_squeeze %dma_start3A_87 : memref<1x40x128xi32, #tpu.memory_space<hbm>> -> memref<40x128xi32, #tpu.memory_space<hbm>>
        tpu.enqueue_dma source(%dma_start3A_88 : memref<40x128xi32, #tpu.memory_space<hbm>>) target(%arg7 : memref<40x128xi32, #tpu.memory_space<vmem>>) target_semaphore(%run_scoped3A : memref<!tpu.dma_semaphore, #tpu.memory_space<semaphore_mem>>)
        %dma_wait3A_89 = arith.constant 0 : i32
        %dma_wait3A_90 = tpu.memref_slice %arg3[%add3A, %mul3A_52, %dma_wait3A_89] : memref<32x120x128xi32, #tpu.memory_space<hbm>> -> memref<1x40x128xi32, #tpu.memory_space<hbm>>
        %dma_wait3A_91 = tpu.memref_squeeze %dma_wait3A_90 : memref<1x40x128xi32, #tpu.memory_space<hbm>> -> memref<40x128xi32, #tpu.memory_space<hbm>>
        %dma_wait3A_92 = arith.constant 0 : i32
        %dma_wait3A_93 = tpu.memref_slice %arg3[%add3A, %mul3A_52, %dma_wait3A_92] : memref<32x120x128xi32, #tpu.memory_space<hbm>> -> memref<1x40x128xi32, #tpu.memory_space<hbm>>
        %dma_wait3A_94 = tpu.memref_squeeze %dma_wait3A_93 : memref<1x40x128xi32, #tpu.memory_space<hbm>> -> memref<40x128xi32, #tpu.memory_space<hbm>>
        tpu.wait_dma2 semaphore(%run_scoped3A : memref<!tpu.dma_semaphore, #tpu.memory_space<semaphore_mem>>) src(%dma_wait3A_94 : memref<40x128xi32, #tpu.memory_space<hbm>>) dst(%arg7 : memref<40x128xi32, #tpu.memory_space<vmem>>)
        tpu.yield
      }) : () -> ()
      %mul3A_53 = arith.constant 40 : i32
      %mul3A_54 = arith.muli %while3A_48, %mul3A_53 : i32
      "tpu.region"() ({
        %run_scoped3A = tpu.sem_alloc : memref<!tpu.dma_semaphore, #tpu.memory_space<semaphore_mem>>
        %dma_start3A_83 = arith.constant 0 : i32
        %dma_start3A_84 = tpu.memref_slice %arg4[%add3A, %mul3A_54, %dma_start3A_83] : memref<32x120x128xi32, #tpu.memory_space<hbm>> -> memref<1x40x128xi32, #tpu.memory_space<hbm>>
        %dma_start3A_85 = tpu.memref_squeeze %dma_start3A_84 : memref<1x40x128xi32, #tpu.memory_space<hbm>> -> memref<40x128xi32, #tpu.memory_space<hbm>>
        %dma_start3A_86 = arith.constant 0 : i32
        %dma_start3A_87 = tpu.memref_slice %arg4[%add3A, %mul3A_54, %dma_start3A_86] : memref<32x120x128xi32, #tpu.memory_space<hbm>> -> memref<1x40x128xi32, #tpu.memory_space<hbm>>
        %dma_start3A_88 = tpu.memref_squeeze %dma_start3A_87 : memref<1x40x128xi32, #tpu.memory_space<hbm>> -> memref<40x128xi32, #tpu.memory_space<hbm>>
        tpu.enqueue_dma source(%dma_start3A_88 : memref<40x128xi32, #tpu.memory_space<hbm>>) target(%arg8 : memref<40x128xi32, #tpu.memory_space<vmem>>) target_semaphore(%run_scoped3A : memref<!tpu.dma_semaphore, #tpu.memory_space<semaphore_mem>>)
        %dma_wait3A_89 = arith.constant 0 : i32
        %dma_wait3A_90 = tpu.memref_slice %arg4[%add3A, %mul3A_54, %dma_wait3A_89] : memref<32x120x128xi32, #tpu.memory_space<hbm>> -> memref<1x40x128xi32, #tpu.memory_space<hbm>>
        %dma_wait3A_91 = tpu.memref_squeeze %dma_wait3A_90 : memref<1x40x128xi32, #tpu.memory_space<hbm>> -> memref<40x128xi32, #tpu.memory_space<hbm>>
        %dma_wait3A_92 = arith.constant 0 : i32
        %dma_wait3A_93 = tpu.memref_slice %arg4[%add3A, %mul3A_54, %dma_wait3A_92] : memref<32x120x128xi32, #tpu.memory_space<hbm>> -> memref<1x40x128xi32, #tpu.memory_space<hbm>>
        %dma_wait3A_94 = tpu.memref_squeeze %dma_wait3A_93 : memref<1x40x128xi32, #tpu.memory_space<hbm>> -> memref<40x128xi32, #tpu.memory_space<hbm>>
        tpu.wait_dma2 semaphore(%run_scoped3A : memref<!tpu.dma_semaphore, #tpu.memory_space<semaphore_mem>>) src(%dma_wait3A_94 : memref<40x128xi32, #tpu.memory_space<hbm>>) dst(%arg8 : memref<40x128xi32, #tpu.memory_space<vmem>>)
        tpu.yield
      }) : () -> ()
      %dma_start3A = arith.constant 0 : i32
      %dma_start3A_55 = arith.constant 0 : i32
      %dma_start3A_56 = arith.constant 0 : i32
      %dma_start3A_57 = arith.constant 0 : i32
      %dma_start3A_58 = tpu.memref_slice %arg9[%dma_start3A_55, %dma_start3A_56, %dma_start3A_57] : memref<2x128x128xf32, #tpu.memory_space<vmem>> -> memref<1x128x128xf32, #tpu.memory_space<vmem>>
      %dma_start3A_59 = tpu.memref_squeeze %dma_start3A_58 : memref<1x128x128xf32, #tpu.memory_space<vmem>> -> memref<128x128xf32, #tpu.memory_space<vmem>>
      %dma_start3A_60 = arith.constant 0 : i32
      %dma_start3A_61 = tpu.memref_slice %arg7[%dma_start3A, %dma_start3A_60] : memref<40x128xi32, #tpu.memory_space<vmem>> -> memref<1x128xi32, #tpu.memory_space<vmem>>
      %dma_start3A_62 = tpu.memref_squeeze %dma_start3A_61 : memref<1x128xi32, #tpu.memory_space<vmem>> -> memref<128xi32, #tpu.memory_space<vmem>>
      %dma_start3A_63 = arith.constant 0 : i32
      %dma_start3A_64 = arith.constant 0 : i32
      %dma_start3A_65 = tpu.memref_slice %arg2[%dma_start3A_63, %dma_start3A_64] : memref<10000x128xf32, #tpu.memory_space<hbm>> -> memref<10000x128xf32, #tpu.memory_space<hbm>>
      tpu.enqueue_indirect_dma source(%dma_start3A_65 : memref<10000x128xf32, #tpu.memory_space<hbm>>) target(%dma_start3A_59 : memref<128x128xf32, #tpu.memory_space<vmem>>) offsets(%dma_start3A_62 : memref<128xi32, #tpu.memory_space<vmem>>) semaphore(%arg11 : memref<!tpu.dma_semaphore, #tpu.memory_space<semaphore_mem>>)
      %dma_start3A_66 = arith.constant 1 : i32
      %dma_start3A_67 = arith.constant 1 : i32
      %dma_start3A_68 = arith.constant 0 : i32
      %dma_start3A_69 = arith.constant 0 : i32
      %dma_start3A_70 = tpu.memref_slice %arg9[%dma_start3A_67, %dma_start3A_68, %dma_start3A_69] : memref<2x128x128xf32, #tpu.memory_space<vmem>> -> memref<1x128x128xf32, #tpu.memory_space<vmem>>
      %dma_start3A_71 = tpu.memref_squeeze %dma_start3A_70 : memref<1x128x128xf32, #tpu.memory_space<vmem>> -> memref<128x128xf32, #tpu.memory_space<vmem>>
      %dma_start3A_72 = arith.constant 0 : i32
      %dma_start3A_73 = tpu.memref_slice %arg7[%dma_start3A_66, %dma_start3A_72] : memref<40x128xi32, #tpu.memory_space<vmem>> -> memref<1x128xi32, #tpu.memory_space<vmem>>
      %dma_start3A_74 = tpu.memref_squeeze %dma_start3A_73 : memref<1x128xi32, #tpu.memory_space<vmem>> -> memref<128xi32, #tpu.memory_space<vmem>>
      %dma_start3A_75 = arith.constant 0 : i32
      %dma_start3A_76 = arith.constant 0 : i32
      %dma_start3A_77 = tpu.memref_slice %arg2[%dma_start3A_75, %dma_start3A_76] : memref<10000x128xf32, #tpu.memory_space<hbm>> -> memref<10000x128xf32, #tpu.memory_space<hbm>>
      tpu.enqueue_indirect_dma source(%dma_start3A_77 : memref<10000x128xf32, #tpu.memory_space<hbm>>) target(%dma_start3A_71 : memref<128x128xf32, #tpu.memory_space<vmem>>) offsets(%dma_start3A_74 : memref<128xi32, #tpu.memory_space<vmem>>) semaphore(%arg12 : memref<!tpu.dma_semaphore, #tpu.memory_space<semaphore_mem>>)
      %scan3A = arith.constant 0 : i32
      %scan3A_78 = arith.constant 0 : i32
      %scan3A_79 = arith.constant 20 : i32
      %scan3A_80 = arith.addi %scan3A_78, %scan3A_79 : i32
      %scan3A_81 = arith.constant 1 : i32
      scf.for %scan3A_83 = %scan3A_78 to %scan3A_80 step %scan3A_81  : i32 {
        %mul3A_84 = arith.constant 2 : i32
        %mul3A_85 = arith.muli %mul3A_84, %scan3A_83 : i32
        %dma_wait3A_86 = arith.constant 0 : i32
        %dma_wait3A_87 = arith.constant 0 : i32
        %dma_wait3A_88 = arith.constant 0 : i32
        %dma_wait3A_89 = tpu.memref_slice %arg9[%dma_wait3A_86, %dma_wait3A_87, %dma_wait3A_88] : memref<2x128x128xf32, #tpu.memory_space<vmem>> -> memref<1x128x128xf32, #tpu.memory_space<vmem>>
        %dma_wait3A_90 = tpu.memref_squeeze %dma_wait3A_89 : memref<1x128x128xf32, #tpu.memory_space<vmem>> -> memref<128x128xf32, #tpu.memory_space<vmem>>
        %dma_wait3A_91 = arith.constant 0 : i32
        %dma_wait3A_92 = arith.constant 0 : i32
        %dma_wait3A_93 = tpu.memref_slice %arg2[%dma_wait3A_91, %dma_wait3A_92] : memref<10000x128xf32, #tpu.memory_space<hbm>> -> memref<128x128xf32, #tpu.memory_space<hbm>>
        %dma_wait3A_94 = arith.constant 0 : i32
        %dma_wait3A_95 = arith.constant 0 : i32
        %dma_wait3A_96 = tpu.memref_slice %arg9[%dma_wait3A_86, %dma_wait3A_94, %dma_wait3A_95] : memref<2x128x128xf32, #tpu.memory_space<vmem>> -> memref<1x128x128xf32, #tpu.memory_space<vmem>>
        %dma_wait3A_97 = tpu.memref_squeeze %dma_wait3A_96 : memref<1x128x128xf32, #tpu.memory_space<vmem>> -> memref<128x128xf32, #tpu.memory_space<vmem>>
        %dma_wait3A_98 = arith.constant 0 : i32
        %dma_wait3A_99 = arith.constant 0 : i32
        %dma_wait3A_100 = tpu.memref_slice %arg2[%dma_wait3A_98, %dma_wait3A_99] : memref<10000x128xf32, #tpu.memory_space<hbm>> -> memref<128x128xf32, #tpu.memory_space<hbm>>
        tpu.wait_dma2 semaphore(%arg11 : memref<!tpu.dma_semaphore, #tpu.memory_space<semaphore_mem>>) src(%dma_wait3A_100 : memref<128x128xf32, #tpu.memory_space<hbm>>) dst(%dma_wait3A_97 : memref<128x128xf32, #tpu.memory_space<vmem>>)
        %dma_start3A_101 = arith.constant 0 : i32
        %dma_start3A_102 = arith.constant 0 : i32
        %dma_start3A_103 = arith.constant 0 : i32
        %dma_start3A_104 = tpu.memref_slice %arg9[%dma_start3A_101, %dma_start3A_102, %dma_start3A_103] : memref<2x128x128xf32, #tpu.memory_space<vmem>> -> memref<1x128x128xf32, #tpu.memory_space<vmem>>
        %dma_start3A_105 = tpu.memref_squeeze %dma_start3A_104 : memref<1x128x128xf32, #tpu.memory_space<vmem>> -> memref<128x128xf32, #tpu.memory_space<vmem>>
        %dma_start3A_106 = arith.constant 0 : i32
        %dma_start3A_107 = tpu.memref_slice %arg8[%mul3A_85, %dma_start3A_106] : memref<40x128xi32, #tpu.memory_space<vmem>> -> memref<1x128xi32, #tpu.memory_space<vmem>>
        %dma_start3A_108 = tpu.memref_squeeze %dma_start3A_107 : memref<1x128xi32, #tpu.memory_space<vmem>> -> memref<128xi32, #tpu.memory_space<vmem>>
        %dma_start3A_109 = arith.constant 0 : i32
        %dma_start3A_110 = arith.constant 0 : i32
        %dma_start3A_111 = tpu.memref_slice %arg10[%dma_start3A_109, %dma_start3A_110] : memref<10112x128xf32, #tpu.memory_space<vmem_shared>> -> memref<10112x128xf32, #tpu.memory_space<vmem_shared>>
        tpu.enqueue_indirect_dma source(%dma_start3A_105 : memref<128x128xf32, #tpu.memory_space<vmem>>) target(%dma_start3A_111 : memref<10112x128xf32, #tpu.memory_space<vmem_shared>>) offsets(%dma_start3A_108 : memref<128xi32, #tpu.memory_space<vmem>>) semaphore(%arg13 : memref<!tpu.dma_semaphore, #tpu.memory_space<semaphore_mem>>) {add = true}
        %dma_wait3A_112 = arith.constant 1 : i32
        %dma_wait3A_113 = arith.constant 0 : i32
        %dma_wait3A_114 = arith.constant 0 : i32
        %dma_wait3A_115 = tpu.memref_slice %arg9[%dma_wait3A_112, %dma_wait3A_113, %dma_wait3A_114] : memref<2x128x128xf32, #tpu.memory_space<vmem>> -> memref<1x128x128xf32, #tpu.memory_space<vmem>>
        %dma_wait3A_116 = tpu.memref_squeeze %dma_wait3A_115 : memref<1x128x128xf32, #tpu.memory_space<vmem>> -> memref<128x128xf32, #tpu.memory_space<vmem>>
        %dma_wait3A_117 = arith.constant 0 : i32
        %dma_wait3A_118 = arith.constant 0 : i32
        %dma_wait3A_119 = tpu.memref_slice %arg2[%dma_wait3A_117, %dma_wait3A_118] : memref<10000x128xf32, #tpu.memory_space<hbm>> -> memref<128x128xf32, #tpu.memory_space<hbm>>
        %dma_wait3A_120 = arith.constant 0 : i32
        %dma_wait3A_121 = arith.constant 0 : i32
        %dma_wait3A_122 = tpu.memref_slice %arg9[%dma_wait3A_112, %dma_wait3A_120, %dma_wait3A_121] : memref<2x128x128xf32, #tpu.memory_space<vmem>> -> memref<1x128x128xf32, #tpu.memory_space<vmem>>
        %dma_wait3A_123 = tpu.memref_squeeze %dma_wait3A_122 : memref<1x128x128xf32, #tpu.memory_space<vmem>> -> memref<128x128xf32, #tpu.memory_space<vmem>>
        %dma_wait3A_124 = arith.constant 0 : i32
        %dma_wait3A_125 = arith.constant 0 : i32
        %dma_wait3A_126 = tpu.memref_slice %arg2[%dma_wait3A_124, %dma_wait3A_125] : memref<10000x128xf32, #tpu.memory_space<hbm>> -> memref<128x128xf32, #tpu.memory_space<hbm>>
        tpu.wait_dma2 semaphore(%arg12 : memref<!tpu.dma_semaphore, #tpu.memory_space<semaphore_mem>>) src(%dma_wait3A_126 : memref<128x128xf32, #tpu.memory_space<hbm>>) dst(%dma_wait3A_123 : memref<128x128xf32, #tpu.memory_space<vmem>>)
        %add3A_127 = arith.constant 1 : i32
        %add3A_128 = arith.addi %mul3A_85, %add3A_127 : i32
        %dma_start3A_129 = arith.constant 1 : i32
        %dma_start3A_130 = arith.constant 0 : i32
        %dma_start3A_131 = arith.constant 0 : i32
        %dma_start3A_132 = tpu.memref_slice %arg9[%dma_start3A_129, %dma_start3A_130, %dma_start3A_131] : memref<2x128x128xf32, #tpu.memory_space<vmem>> -> memref<1x128x128xf32, #tpu.memory_space<vmem>>
        %dma_start3A_133 = tpu.memref_squeeze %dma_start3A_132 : memref<1x128x128xf32, #tpu.memory_space<vmem>> -> memref<128x128xf32, #tpu.memory_space<vmem>>
        %dma_start3A_134 = arith.constant 0 : i32
        %dma_start3A_135 = tpu.memref_slice %arg8[%add3A_128, %dma_start3A_134] : memref<40x128xi32, #tpu.memory_space<vmem>> -> memref<1x128xi32, #tpu.memory_space<vmem>>
        %dma_start3A_136 = tpu.memref_squeeze %dma_start3A_135 : memref<1x128xi32, #tpu.memory_space<vmem>> -> memref<128xi32, #tpu.memory_space<vmem>>
        %dma_start3A_137 = arith.constant 0 : i32
        %dma_start3A_138 = arith.constant 0 : i32
        %dma_start3A_139 = tpu.memref_slice %arg10[%dma_start3A_137, %dma_start3A_138] : memref<10112x128xf32, #tpu.memory_space<vmem_shared>> -> memref<10112x128xf32, #tpu.memory_space<vmem_shared>>
        tpu.enqueue_indirect_dma source(%dma_start3A_133 : memref<128x128xf32, #tpu.memory_space<vmem>>) target(%dma_start3A_139 : memref<10112x128xf32, #tpu.memory_space<vmem_shared>>) offsets(%dma_start3A_136 : memref<128xi32, #tpu.memory_space<vmem>>) semaphore(%arg14 : memref<!tpu.dma_semaphore, #tpu.memory_space<semaphore_mem>>) {add = true}
        %lt3A = arith.constant 19 : i32
        %lt3A_140 = arith.cmpi slt, %scan3A_83, %lt3A : i32
        %convert_element_type3A_141 = arith.extui %lt3A_140 : i1 to i32
        %cond3A_142 = arith.constant 0 : i32
        %cond3A_143 = arith.cmpi ne, %convert_element_type3A_141, %cond3A_142 : i32
        scf.if %cond3A_143 {
          %dma_wait3A_144 = arith.constant 0 : i32
          %dma_wait3A_145 = arith.constant 0 : i32
          %dma_wait3A_146 = arith.constant 0 : i32
          %dma_wait3A_147 = arith.constant 0 : i32
          %dma_wait3A_148 = tpu.memref_slice %arg9[%dma_wait3A_144, %dma_wait3A_146, %dma_wait3A_147] : memref<2x128x128xf32, #tpu.memory_space<vmem>> -> memref<1x128x128xf32, #tpu.memory_space<vmem>>
          %dma_wait3A_149 = tpu.memref_squeeze %dma_wait3A_148 : memref<1x128x128xf32, #tpu.memory_space<vmem>> -> memref<128x128xf32, #tpu.memory_space<vmem>>
          %dma_wait3A_150 = arith.constant 0 : i32
          %dma_wait3A_151 = tpu.memref_slice %arg8[%dma_wait3A_145, %dma_wait3A_150] : memref<40x128xi32, #tpu.memory_space<vmem>> -> memref<1x128xi32, #tpu.memory_space<vmem>>
          %dma_wait3A_152 = tpu.memref_squeeze %dma_wait3A_151 : memref<1x128xi32, #tpu.memory_space<vmem>> -> memref<128xi32, #tpu.memory_space<vmem>>
          %dma_wait3A_153 = arith.constant 0 : i32
          %dma_wait3A_154 = arith.constant 0 : i32
          %dma_wait3A_155 = tpu.memref_slice %arg10[%dma_wait3A_153, %dma_wait3A_154] : memref<10112x128xf32, #tpu.memory_space<vmem_shared>> -> memref<10112x128xf32, #tpu.memory_space<vmem_shared>>
          tpu.wait_indirect_dma semaphore(%arg13 : memref<!tpu.dma_semaphore, #tpu.memory_space<semaphore_mem>>) src(%dma_wait3A_149 : memref<128x128xf32, #tpu.memory_space<vmem>>) dst(%dma_wait3A_155 : memref<10112x128xf32, #tpu.memory_space<vmem_shared>>)
          %add3A_156 = arith.constant 2 : i32
          %add3A_157 = arith.addi %mul3A_85, %add3A_156 : i32
          %dma_start3A_158 = arith.constant 0 : i32
          %dma_start3A_159 = arith.constant 0 : i32
          %dma_start3A_160 = arith.constant 0 : i32
          %dma_start3A_161 = tpu.memref_slice %arg9[%dma_start3A_158, %dma_start3A_159, %dma_start3A_160] : memref<2x128x128xf32, #tpu.memory_space<vmem>> -> memref<1x128x128xf32, #tpu.memory_space<vmem>>
          %dma_start3A_162 = tpu.memref_squeeze %dma_start3A_161 : memref<1x128x128xf32, #tpu.memory_space<vmem>> -> memref<128x128xf32, #tpu.memory_space<vmem>>
          %dma_start3A_163 = arith.constant 0 : i32
          %dma_start3A_164 = tpu.memref_slice %arg7[%add3A_157, %dma_start3A_163] : memref<40x128xi32, #tpu.memory_space<vmem>> -> memref<1x128xi32, #tpu.memory_space<vmem>>
          %dma_start3A_165 = tpu.memref_squeeze %dma_start3A_164 : memref<1x128xi32, #tpu.memory_space<vmem>> -> memref<128xi32, #tpu.memory_space<vmem>>
          %dma_start3A_166 = arith.constant 0 : i32
          %dma_start3A_167 = arith.constant 0 : i32
          %dma_start3A_168 = tpu.memref_slice %arg2[%dma_start3A_166, %dma_start3A_167] : memref<10000x128xf32, #tpu.memory_space<hbm>> -> memref<10000x128xf32, #tpu.memory_space<hbm>>
          tpu.enqueue_indirect_dma source(%dma_start3A_168 : memref<10000x128xf32, #tpu.memory_space<hbm>>) target(%dma_start3A_162 : memref<128x128xf32, #tpu.memory_space<vmem>>) offsets(%dma_start3A_165 : memref<128xi32, #tpu.memory_space<vmem>>) semaphore(%arg11 : memref<!tpu.dma_semaphore, #tpu.memory_space<semaphore_mem>>)
          %dma_wait3A_169 = arith.constant 1 : i32
          %dma_wait3A_170 = arith.constant 0 : i32
          %dma_wait3A_171 = arith.constant 0 : i32
          %dma_wait3A_172 = arith.constant 0 : i32
          %dma_wait3A_173 = tpu.memref_slice %arg9[%dma_wait3A_169, %dma_wait3A_171, %dma_wait3A_172] : memref<2x128x128xf32, #tpu.memory_space<vmem>> -> memref<1x128x128xf32, #tpu.memory_space<vmem>>
          %dma_wait3A_174 = tpu.memref_squeeze %dma_wait3A_173 : memref<1x128x128xf32, #tpu.memory_space<vmem>> -> memref<128x128xf32, #tpu.memory_space<vmem>>
          %dma_wait3A_175 = arith.constant 0 : i32
          %dma_wait3A_176 = tpu.memref_slice %arg8[%dma_wait3A_170, %dma_wait3A_175] : memref<40x128xi32, #tpu.memory_space<vmem>> -> memref<1x128xi32, #tpu.memory_space<vmem>>
          %dma_wait3A_177 = tpu.memref_squeeze %dma_wait3A_176 : memref<1x128xi32, #tpu.memory_space<vmem>> -> memref<128xi32, #tpu.memory_space<vmem>>
          %dma_wait3A_178 = arith.constant 0 : i32
          %dma_wait3A_179 = arith.constant 0 : i32
          %dma_wait3A_180 = tpu.memref_slice %arg10[%dma_wait3A_178, %dma_wait3A_179] : memref<10112x128xf32, #tpu.memory_space<vmem_shared>> -> memref<10112x128xf32, #tpu.memory_space<vmem_shared>>
          tpu.wait_indirect_dma semaphore(%arg14 : memref<!tpu.dma_semaphore, #tpu.memory_space<semaphore_mem>>) src(%dma_wait3A_174 : memref<128x128xf32, #tpu.memory_space<vmem>>) dst(%dma_wait3A_180 : memref<10112x128xf32, #tpu.memory_space<vmem_shared>>)
          %add3A_181 = arith.constant 3 : i32
          %add3A_182 = arith.addi %mul3A_85, %add3A_181 : i32
          %dma_start3A_183 = arith.constant 1 : i32
          %dma_start3A_184 = arith.constant 0 : i32
          %dma_start3A_185 = arith.constant 0 : i32
          %dma_start3A_186 = tpu.memref_slice %arg9[%dma_start3A_183, %dma_start3A_184, %dma_start3A_185] : memref<2x128x128xf32, #tpu.memory_space<vmem>> -> memref<1x128x128xf32, #tpu.memory_space<vmem>>
          %dma_start3A_187 = tpu.memref_squeeze %dma_start3A_186 : memref<1x128x128xf32, #tpu.memory_space<vmem>> -> memref<128x128xf32, #tpu.memory_space<vmem>>
          %dma_start3A_188 = arith.constant 0 : i32
          %dma_start3A_189 = tpu.memref_slice %arg7[%add3A_182, %dma_start3A_188] : memref<40x128xi32, #tpu.memory_space<vmem>> -> memref<1x128xi32, #tpu.memory_space<vmem>>
          %dma_start3A_190 = tpu.memref_squeeze %dma_start3A_189 : memref<1x128xi32, #tpu.memory_space<vmem>> -> memref<128xi32, #tpu.memory_space<vmem>>
          %dma_start3A_191 = arith.constant 0 : i32
          %dma_start3A_192 = arith.constant 0 : i32
          %dma_start3A_193 = tpu.memref_slice %arg2[%dma_start3A_191, %dma_start3A_192] : memref<10000x128xf32, #tpu.memory_space<hbm>> -> memref<10000x128xf32, #tpu.memory_space<hbm>>
          tpu.enqueue_indirect_dma source(%dma_start3A_193 : memref<10000x128xf32, #tpu.memory_space<hbm>>) target(%dma_start3A_187 : memref<128x128xf32, #tpu.memory_space<vmem>>) offsets(%dma_start3A_190 : memref<128xi32, #tpu.memory_space<vmem>>) semaphore(%arg12 : memref<!tpu.dma_semaphore, #tpu.memory_space<semaphore_mem>>)
        } else {
        }
      }
      %scan3A_82 = arith.constant 20 : i32
    }
    %while3A_16 = arith.constant 1 : i32
    scf.for %while3A_48 = %while3A_14 to %while3A_10 step %while3A_16  : i32 {
      %gt3A = arith.constant 0 : i32
      %gt3A_49 = arith.cmpi sgt, %while3A_48, %gt3A : i32
      %convert_element_type3A = arith.extui %gt3A_49 : i1 to i32
      %cond3A = arith.constant 0 : i32
      %cond3A_50 = arith.cmpi ne, %convert_element_type3A, %cond3A : i32
      scf.if %cond3A_50 {
        %dma_wait3A_83 = arith.constant 0 : i32
        %dma_wait3A_84 = arith.constant 0 : i32
        %dma_wait3A_85 = arith.constant 0 : i32
        %dma_wait3A_86 = arith.constant 0 : i32
        %dma_wait3A_87 = tpu.memref_slice %arg9[%dma_wait3A_83, %dma_wait3A_85, %dma_wait3A_86] : memref<2x128x128xf32, #tpu.memory_space<vmem>> -> memref<1x128x128xf32, #tpu.memory_space<vmem>>
        %dma_wait3A_88 = tpu.memref_squeeze %dma_wait3A_87 : memref<1x128x128xf32, #tpu.memory_space<vmem>> -> memref<128x128xf32, #tpu.memory_space<vmem>>
        %dma_wait3A_89 = arith.constant 0 : i32
        %dma_wait3A_90 = tpu.memref_slice %arg8[%dma_wait3A_84, %dma_wait3A_89] : memref<40x128xi32, #tpu.memory_space<vmem>> -> memref<1x128xi32, #tpu.memory_space<vmem>>
        %dma_wait3A_91 = tpu.memref_squeeze %dma_wait3A_90 : memref<1x128xi32, #tpu.memory_space<vmem>> -> memref<128xi32, #tpu.memory_space<vmem>>
        %dma_wait3A_92 = arith.constant 0 : i32
        %dma_wait3A_93 = arith.constant 0 : i32
        %dma_wait3A_94 = tpu.memref_slice %arg10[%dma_wait3A_92, %dma_wait3A_93] : memref<10112x128xf32, #tpu.memory_space<vmem_shared>> -> memref<10112x128xf32, #tpu.memory_space<vmem_shared>>
        tpu.wait_indirect_dma semaphore(%arg13 : memref<!tpu.dma_semaphore, #tpu.memory_space<semaphore_mem>>) src(%dma_wait3A_88 : memref<128x128xf32, #tpu.memory_space<vmem>>) dst(%dma_wait3A_94 : memref<10112x128xf32, #tpu.memory_space<vmem_shared>>)
        %dma_wait3A_95 = arith.constant 1 : i32
        %dma_wait3A_96 = arith.constant 0 : i32
        %dma_wait3A_97 = arith.constant 0 : i32
        %dma_wait3A_98 = arith.constant 0 : i32
        %dma_wait3A_99 = tpu.memref_slice %arg9[%dma_wait3A_95, %dma_wait3A_97, %dma_wait3A_98] : memref<2x128x128xf32, #tpu.memory_space<vmem>> -> memref<1x128x128xf32, #tpu.memory_space<vmem>>
        %dma_wait3A_100 = tpu.memref_squeeze %dma_wait3A_99 : memref<1x128x128xf32, #tpu.memory_space<vmem>> -> memref<128x128xf32, #tpu.memory_space<vmem>>
        %dma_wait3A_101 = arith.constant 0 : i32
        %dma_wait3A_102 = tpu.memref_slice %arg8[%dma_wait3A_96, %dma_wait3A_101] : memref<40x128xi32, #tpu.memory_space<vmem>> -> memref<1x128xi32, #tpu.memory_space<vmem>>
        %dma_wait3A_103 = tpu.memref_squeeze %dma_wait3A_102 : memref<1x128xi32, #tpu.memory_space<vmem>> -> memref<128xi32, #tpu.memory_space<vmem>>
        %dma_wait3A_104 = arith.constant 0 : i32
        %dma_wait3A_105 = arith.constant 0 : i32
        %dma_wait3A_106 = tpu.memref_slice %arg10[%dma_wait3A_104, %dma_wait3A_105] : memref<10112x128xf32, #tpu.memory_space<vmem_shared>> -> memref<10112x128xf32, #tpu.memory_space<vmem_shared>>
        tpu.wait_indirect_dma semaphore(%arg14 : memref<!tpu.dma_semaphore, #tpu.memory_space<semaphore_mem>>) src(%dma_wait3A_100 : memref<128x128xf32, #tpu.memory_space<vmem>>) dst(%dma_wait3A_106 : memref<10112x128xf32, #tpu.memory_space<vmem_shared>>)
      } else {
      }
      %mul3A_51 = arith.constant 40 : i32
      %mul3A_52 = arith.muli %while3A_48, %mul3A_51 : i32
      "tpu.region"() ({
        %run_scoped3A = tpu.sem_alloc : memref<!tpu.dma_semaphore, #tpu.memory_space<semaphore_mem>>
        %dma_start3A_83 = arith.constant 0 : i32
        %dma_start3A_84 = tpu.memref_slice %arg3[%add3A, %mul3A_52, %dma_start3A_83] : memref<32x120x128xi32, #tpu.memory_space<hbm>> -> memref<1x40x128xi32, #tpu.memory_space<hbm>>
        %dma_start3A_85 = tpu.memref_squeeze %dma_start3A_84 : memref<1x40x128xi32, #tpu.memory_space<hbm>> -> memref<40x128xi32, #tpu.memory_space<hbm>>
        %dma_start3A_86 = arith.constant 0 : i32
        %dma_start3A_87 = tpu.memref_slice %arg3[%add3A, %mul3A_52, %dma_start3A_86] : memref<32x120x128xi32, #tpu.memory_space<hbm>> -> memref<1x40x128xi32, #tpu.memory_space<hbm>>
        %dma_start3A_88 = tpu.memref_squeeze %dma_start3A_87 : memref<1x40x128xi32, #tpu.memory_space<hbm>> -> memref<40x128xi32, #tpu.memory_space<hbm>>
        tpu.enqueue_dma source(%dma_start3A_88 : memref<40x128xi32, #tpu.memory_space<hbm>>) target(%arg7 : memref<40x128xi32, #tpu.memory_space<vmem>>) target_semaphore(%run_scoped3A : memref<!tpu.dma_semaphore, #tpu.memory_space<semaphore_mem>>)
        %dma_wait3A_89 = arith.constant 0 : i32
        %dma_wait3A_90 = tpu.memref_slice %arg3[%add3A, %mul3A_52, %dma_wait3A_89] : memref<32x120x128xi32, #tpu.memory_space<hbm>> -> memref<1x40x128xi32, #tpu.memory_space<hbm>>
        %dma_wait3A_91 = tpu.memref_squeeze %dma_wait3A_90 : memref<1x40x128xi32, #tpu.memory_space<hbm>> -> memref<40x128xi32, #tpu.memory_space<hbm>>
        %dma_wait3A_92 = arith.constant 0 : i32
        %dma_wait3A_93 = tpu.memref_slice %arg3[%add3A, %mul3A_52, %dma_wait3A_92] : memref<32x120x128xi32, #tpu.memory_space<hbm>> -> memref<1x40x128xi32, #tpu.memory_space<hbm>>
        %dma_wait3A_94 = tpu.memref_squeeze %dma_wait3A_93 : memref<1x40x128xi32, #tpu.memory_space<hbm>> -> memref<40x128xi32, #tpu.memory_space<hbm>>
        tpu.wait_dma2 semaphore(%run_scoped3A : memref<!tpu.dma_semaphore, #tpu.memory_space<semaphore_mem>>) src(%dma_wait3A_94 : memref<40x128xi32, #tpu.memory_space<hbm>>) dst(%arg7 : memref<40x128xi32, #tpu.memory_space<vmem>>)
        tpu.yield
      }) : () -> ()
      %mul3A_53 = arith.constant 40 : i32
      %mul3A_54 = arith.muli %while3A_48, %mul3A_53 : i32
      "tpu.region"() ({
        %run_scoped3A = tpu.sem_alloc : memref<!tpu.dma_semaphore, #tpu.memory_space<semaphore_mem>>
        %dma_start3A_83 = arith.constant 0 : i32
        %dma_start3A_84 = tpu.memref_slice %arg4[%add3A, %mul3A_54, %dma_start3A_83] : memref<32x120x128xi32, #tpu.memory_space<hbm>> -> memref<1x40x128xi32, #tpu.memory_space<hbm>>
        %dma_start3A_85 = tpu.memref_squeeze %dma_start3A_84 : memref<1x40x128xi32, #tpu.memory_space<hbm>> -> memref<40x128xi32, #tpu.memory_space<hbm>>
        %dma_start3A_86 = arith.constant 0 : i32
        %dma_start3A_87 = tpu.memref_slice %arg4[%add3A, %mul3A_54, %dma_start3A_86] : memref<32x120x128xi32, #tpu.memory_space<hbm>> -> memref<1x40x128xi32, #tpu.memory_space<hbm>>
        %dma_start3A_88 = tpu.memref_squeeze %dma_start3A_87 : memref<1x40x128xi32, #tpu.memory_space<hbm>> -> memref<40x128xi32, #tpu.memory_space<hbm>>
        tpu.enqueue_dma source(%dma_start3A_88 : memref<40x128xi32, #tpu.memory_space<hbm>>) target(%arg8 : memref<40x128xi32, #tpu.memory_space<vmem>>) target_semaphore(%run_scoped3A : memref<!tpu.dma_semaphore, #tpu.memory_space<semaphore_mem>>)
        %dma_wait3A_89 = arith.constant 0 : i32
        %dma_wait3A_90 = tpu.memref_slice %arg4[%add3A, %mul3A_54, %dma_wait3A_89] : memref<32x120x128xi32, #tpu.memory_space<hbm>> -> memref<1x40x128xi32, #tpu.memory_space<hbm>>
        %dma_wait3A_91 = tpu.memref_squeeze %dma_wait3A_90 : memref<1x40x128xi32, #tpu.memory_space<hbm>> -> memref<40x128xi32, #tpu.memory_space<hbm>>
        %dma_wait3A_92 = arith.constant 0 : i32
        %dma_wait3A_93 = tpu.memref_slice %arg4[%add3A, %mul3A_54, %dma_wait3A_92] : memref<32x120x128xi32, #tpu.memory_space<hbm>> -> memref<1x40x128xi32, #tpu.memory_space<hbm>>
        %dma_wait3A_94 = tpu.memref_squeeze %dma_wait3A_93 : memref<1x40x128xi32, #tpu.memory_space<hbm>> -> memref<40x128xi32, #tpu.memory_space<hbm>>
        tpu.wait_dma2 semaphore(%run_scoped3A : memref<!tpu.dma_semaphore, #tpu.memory_space<semaphore_mem>>) src(%dma_wait3A_94 : memref<40x128xi32, #tpu.memory_space<hbm>>) dst(%arg8 : memref<40x128xi32, #tpu.memory_space<vmem>>)
        tpu.yield
      }) : () -> ()
      %dma_start3A = arith.constant 0 : i32
      %dma_start3A_55 = arith.constant 0 : i32
      %dma_start3A_56 = arith.constant 0 : i32
      %dma_start3A_57 = arith.constant 0 : i32
      %dma_start3A_58 = tpu.memref_slice %arg9[%dma_start3A_55, %dma_start3A_56, %dma_start3A_57] : memref<2x128x128xf32, #tpu.memory_space<vmem>> -> memref<1x128x128xf32, #tpu.memory_space<vmem>>
      %dma_start3A_59 = tpu.memref_squeeze %dma_start3A_58 : memref<1x128x128xf32, #tpu.memory_space<vmem>> -> memref<128x128xf32, #tpu.memory_space<vmem>>
      %dma_start3A_60 = arith.constant 0 : i32
      %dma_start3A_61 = tpu.memref_slice %arg7[%dma_start3A, %dma_start3A_60] : memref<40x128xi32, #tpu.memory_space<vmem>> -> memref<1x128xi32, #tpu.memory_space<vmem>>
      %dma_start3A_62 = tpu.memref_squeeze %dma_start3A_61 : memref<1x128xi32, #tpu.memory_space<vmem>> -> memref<128xi32, #tpu.memory_space<vmem>>
      %dma_start3A_63 = arith.constant 0 : i32
      %dma_start3A_64 = arith.constant 0 : i32
      %dma_start3A_65 = tpu.memref_slice %arg2[%dma_start3A_63, %dma_start3A_64] : memref<10000x128xf32, #tpu.memory_space<hbm>> -> memref<10000x128xf32, #tpu.memory_space<hbm>>
      tpu.enqueue_indirect_dma source(%dma_start3A_65 : memref<10000x128xf32, #tpu.memory_space<hbm>>) target(%dma_start3A_59 : memref<128x128xf32, #tpu.memory_space<vmem>>) offsets(%dma_start3A_62 : memref<128xi32, #tpu.memory_space<vmem>>) semaphore(%arg11 : memref<!tpu.dma_semaphore, #tpu.memory_space<semaphore_mem>>)
      %dma_start3A_66 = arith.constant 1 : i32
      %dma_start3A_67 = arith.constant 1 : i32
      %dma_start3A_68 = arith.constant 0 : i32
      %dma_start3A_69 = arith.constant 0 : i32
      %dma_start3A_70 = tpu.memref_slice %arg9[%dma_start3A_67, %dma_start3A_68, %dma_start3A_69] : memref<2x128x128xf32, #tpu.memory_space<vmem>> -> memref<1x128x128xf32, #tpu.memory_space<vmem>>
      %dma_start3A_71 = tpu.memref_squeeze %dma_start3A_70 : memref<1x128x128xf32, #tpu.memory_space<vmem>> -> memref<128x128xf32, #tpu.memory_space<vmem>>
      %dma_start3A_72 = arith.constant 0 : i32
      %dma_start3A_73 = tpu.memref_slice %arg7[%dma_start3A_66, %dma_start3A_72] : memref<40x128xi32, #tpu.memory_space<vmem>> -> memref<1x128xi32, #tpu.memory_space<vmem>>
      %dma_start3A_74 = tpu.memref_squeeze %dma_start3A_73 : memref<1x128xi32, #tpu.memory_space<vmem>> -> memref<128xi32, #tpu.memory_space<vmem>>
      %dma_start3A_75 = arith.constant 0 : i32
      %dma_start3A_76 = arith.constant 0 : i32
      %dma_start3A_77 = tpu.memref_slice %arg2[%dma_start3A_75, %dma_start3A_76] : memref<10000x128xf32, #tpu.memory_space<hbm>> -> memref<10000x128xf32, #tpu.memory_space<hbm>>
      tpu.enqueue_indirect_dma source(%dma_start3A_77 : memref<10000x128xf32, #tpu.memory_space<hbm>>) target(%dma_start3A_71 : memref<128x128xf32, #tpu.memory_space<vmem>>) offsets(%dma_start3A_74 : memref<128xi32, #tpu.memory_space<vmem>>) semaphore(%arg12 : memref<!tpu.dma_semaphore, #tpu.memory_space<semaphore_mem>>)
      %scan3A = arith.constant 0 : i32
      %scan3A_78 = arith.constant 0 : i32
      %scan3A_79 = arith.constant 20 : i32
      %scan3A_80 = arith.addi %scan3A_78, %scan3A_79 : i32
      %scan3A_81 = arith.constant 1 : i32
      scf.for %scan3A_83 = %scan3A_78 to %scan3A_80 step %scan3A_81  : i32 {
        %mul3A_84 = arith.constant 2 : i32
        %mul3A_85 = arith.muli %mul3A_84, %scan3A_83 : i32
        %dma_wait3A_86 = arith.constant 0 : i32
        %dma_wait3A_87 = arith.constant 0 : i32
        %dma_wait3A_88 = arith.constant 0 : i32
        %dma_wait3A_89 = tpu.memref_slice %arg9[%dma_wait3A_86, %dma_wait3A_87, %dma_wait3A_88] : memref<2x128x128xf32, #tpu.memory_space<vmem>> -> memref<1x128x128xf32, #tpu.memory_space<vmem>>
        %dma_wait3A_90 = tpu.memref_squeeze %dma_wait3A_89 : memref<1x128x128xf32, #tpu.memory_space<vmem>> -> memref<128x128xf32, #tpu.memory_space<vmem>>
        %dma_wait3A_91 = arith.constant 0 : i32
        %dma_wait3A_92 = arith.constant 0 : i32
        %dma_wait3A_93 = tpu.memref_slice %arg2[%dma_wait3A_91, %dma_wait3A_92] : memref<10000x128xf32, #tpu.memory_space<hbm>> -> memref<128x128xf32, #tpu.memory_space<hbm>>
        %dma_wait3A_94 = arith.constant 0 : i32
        %dma_wait3A_95 = arith.constant 0 : i32
        %dma_wait3A_96 = tpu.memref_slice %arg9[%dma_wait3A_86, %dma_wait3A_94, %dma_wait3A_95] : memref<2x128x128xf32, #tpu.memory_space<vmem>> -> memref<1x128x128xf32, #tpu.memory_space<vmem>>
        %dma_wait3A_97 = tpu.memref_squeeze %dma_wait3A_96 : memref<1x128x128xf32, #tpu.memory_space<vmem>> -> memref<128x128xf32, #tpu.memory_space<vmem>>
        %dma_wait3A_98 = arith.constant 0 : i32
        %dma_wait3A_99 = arith.constant 0 : i32
        %dma_wait3A_100 = tpu.memref_slice %arg2[%dma_wait3A_98, %dma_wait3A_99] : memref<10000x128xf32, #tpu.memory_space<hbm>> -> memref<128x128xf32, #tpu.memory_space<hbm>>
        tpu.wait_dma2 semaphore(%arg11 : memref<!tpu.dma_semaphore, #tpu.memory_space<semaphore_mem>>) src(%dma_wait3A_100 : memref<128x128xf32, #tpu.memory_space<hbm>>) dst(%dma_wait3A_97 : memref<128x128xf32, #tpu.memory_space<vmem>>)
        %dma_start3A_101 = arith.constant 0 : i32
        %dma_start3A_102 = arith.constant 0 : i32
        %dma_start3A_103 = arith.constant 0 : i32
        %dma_start3A_104 = tpu.memref_slice %arg9[%dma_start3A_101, %dma_start3A_102, %dma_start3A_103] : memref<2x128x128xf32, #tpu.memory_space<vmem>> -> memref<1x128x128xf32, #tpu.memory_space<vmem>>
        %dma_start3A_105 = tpu.memref_squeeze %dma_start3A_104 : memref<1x128x128xf32, #tpu.memory_space<vmem>> -> memref<128x128xf32, #tpu.memory_space<vmem>>
        %dma_start3A_106 = arith.constant 0 : i32
        %dma_start3A_107 = tpu.memref_slice %arg8[%mul3A_85, %dma_start3A_106] : memref<40x128xi32, #tpu.memory_space<vmem>> -> memref<1x128xi32, #tpu.memory_space<vmem>>
        %dma_start3A_108 = tpu.memref_squeeze %dma_start3A_107 : memref<1x128xi32, #tpu.memory_space<vmem>> -> memref<128xi32, #tpu.memory_space<vmem>>
        %dma_start3A_109 = arith.constant 0 : i32
        %dma_start3A_110 = arith.constant 0 : i32
        %dma_start3A_111 = tpu.memref_slice %arg10[%dma_start3A_109, %dma_start3A_110] : memref<10112x128xf32, #tpu.memory_space<vmem_shared>> -> memref<10112x128xf32, #tpu.memory_space<vmem_shared>>
        tpu.enqueue_indirect_dma source(%dma_start3A_105 : memref<128x128xf32, #tpu.memory_space<vmem>>) target(%dma_start3A_111 : memref<10112x128xf32, #tpu.memory_space<vmem_shared>>) offsets(%dma_start3A_108 : memref<128xi32, #tpu.memory_space<vmem>>) semaphore(%arg13 : memref<!tpu.dma_semaphore, #tpu.memory_space<semaphore_mem>>) {add = true}
        %dma_wait3A_112 = arith.constant 1 : i32
        %dma_wait3A_113 = arith.constant 0 : i32
        %dma_wait3A_114 = arith.constant 0 : i32
        %dma_wait3A_115 = tpu.memref_slice %arg9[%dma_wait3A_112, %dma_wait3A_113, %dma_wait3A_114] : memref<2x128x128xf32, #tpu.memory_space<vmem>> -> memref<1x128x128xf32, #tpu.memory_space<vmem>>
        %dma_wait3A_116 = tpu.memref_squeeze %dma_wait3A_115 : memref<1x128x128xf32, #tpu.memory_space<vmem>> -> memref<128x128xf32, #tpu.memory_space<vmem>>
        %dma_wait3A_117 = arith.constant 0 : i32
        %dma_wait3A_118 = arith.constant 0 : i32
        %dma_wait3A_119 = tpu.memref_slice %arg2[%dma_wait3A_117, %dma_wait3A_118] : memref<10000x128xf32, #tpu.memory_space<hbm>> -> memref<128x128xf32, #tpu.memory_space<hbm>>
        %dma_wait3A_120 = arith.constant 0 : i32
        %dma_wait3A_121 = arith.constant 0 : i32
        %dma_wait3A_122 = tpu.memref_slice %arg9[%dma_wait3A_112, %dma_wait3A_120, %dma_wait3A_121] : memref<2x128x128xf32, #tpu.memory_space<vmem>> -> memref<1x128x128xf32, #tpu.memory_space<vmem>>
        %dma_wait3A_123 = tpu.memref_squeeze %dma_wait3A_122 : memref<1x128x128xf32, #tpu.memory_space<vmem>> -> memref<128x128xf32, #tpu.memory_space<vmem>>
        %dma_wait3A_124 = arith.constant 0 : i32
        %dma_wait3A_125 = arith.constant 0 : i32
        %dma_wait3A_126 = tpu.memref_slice %arg2[%dma_wait3A_124, %dma_wait3A_125] : memref<10000x128xf32, #tpu.memory_space<hbm>> -> memref<128x128xf32, #tpu.memory_space<hbm>>
        tpu.wait_dma2 semaphore(%arg12 : memref<!tpu.dma_semaphore, #tpu.memory_space<semaphore_mem>>) src(%dma_wait3A_126 : memref<128x128xf32, #tpu.memory_space<hbm>>) dst(%dma_wait3A_123 : memref<128x128xf32, #tpu.memory_space<vmem>>)
        %add3A_127 = arith.constant 1 : i32
        %add3A_128 = arith.addi %mul3A_85, %add3A_127 : i32
        %dma_start3A_129 = arith.constant 1 : i32
        %dma_start3A_130 = arith.constant 0 : i32
        %dma_start3A_131 = arith.constant 0 : i32
        %dma_start3A_132 = tpu.memref_slice %arg9[%dma_start3A_129, %dma_start3A_130, %dma_start3A_131] : memref<2x128x128xf32, #tpu.memory_space<vmem>> -> memref<1x128x128xf32, #tpu.memory_space<vmem>>
        %dma_start3A_133 = tpu.memref_squeeze %dma_start3A_132 : memref<1x128x128xf32, #tpu.memory_space<vmem>> -> memref<128x128xf32, #tpu.memory_space<vmem>>
        %dma_start3A_134 = arith.constant 0 : i32
        %dma_start3A_135 = tpu.memref_slice %arg8[%add3A_128, %dma_start3A_134] : memref<40x128xi32, #tpu.memory_space<vmem>> -> memref<1x128xi32, #tpu.memory_space<vmem>>
        %dma_start3A_136 = tpu.memref_squeeze %dma_start3A_135 : memref<1x128xi32, #tpu.memory_space<vmem>> -> memref<128xi32, #tpu.memory_space<vmem>>
        %dma_start3A_137 = arith.constant 0 : i32
        %dma_start3A_138 = arith.constant 0 : i32
        %dma_start3A_139 = tpu.memref_slice %arg10[%dma_start3A_137, %dma_start3A_138] : memref<10112x128xf32, #tpu.memory_space<vmem_shared>> -> memref<10112x128xf32, #tpu.memory_space<vmem_shared>>
        tpu.enqueue_indirect_dma source(%dma_start3A_133 : memref<128x128xf32, #tpu.memory_space<vmem>>) target(%dma_start3A_139 : memref<10112x128xf32, #tpu.memory_space<vmem_shared>>) offsets(%dma_start3A_136 : memref<128xi32, #tpu.memory_space<vmem>>) semaphore(%arg14 : memref<!tpu.dma_semaphore, #tpu.memory_space<semaphore_mem>>) {add = true}
        %lt3A = arith.constant 19 : i32
        %lt3A_140 = arith.cmpi slt, %scan3A_83, %lt3A : i32
        %convert_element_type3A_141 = arith.extui %lt3A_140 : i1 to i32
        %cond3A_142 = arith.constant 0 : i32
        %cond3A_143 = arith.cmpi ne, %convert_element_type3A_141, %cond3A_142 : i32
        scf.if %cond3A_143 {
          %dma_wait3A_144 = arith.constant 0 : i32
          %dma_wait3A_145 = arith.constant 0 : i32
          %dma_wait3A_146 = arith.constant 0 : i32
          %dma_wait3A_147 = arith.constant 0 : i32
          %dma_wait3A_148 = tpu.memref_slice %arg9[%dma_wait3A_144, %dma_wait3A_146, %dma_wait3A_147] : memref<2x128x128xf32, #tpu.memory_space<vmem>> -> memref<1x128x128xf32, #tpu.memory_space<vmem>>
          %dma_wait3A_149 = tpu.memref_squeeze %dma_wait3A_148 : memref<1x128x128xf32, #tpu.memory_space<vmem>> -> memref<128x128xf32, #tpu.memory_space<vmem>>
          %dma_wait3A_150 = arith.constant 0 : i32
          %dma_wait3A_151 = tpu.memref_slice %arg8[%dma_wait3A_145, %dma_wait3A_150] : memref<40x128xi32, #tpu.memory_space<vmem>> -> memref<1x128xi32, #tpu.memory_space<vmem>>
          %dma_wait3A_152 = tpu.memref_squeeze %dma_wait3A_151 : memref<1x128xi32, #tpu.memory_space<vmem>> -> memref<128xi32, #tpu.memory_space<vmem>>
          %dma_wait3A_153 = arith.constant 0 : i32
          %dma_wait3A_154 = arith.constant 0 : i32
          %dma_wait3A_155 = tpu.memref_slice %arg10[%dma_wait3A_153, %dma_wait3A_154] : memref<10112x128xf32, #tpu.memory_space<vmem_shared>> -> memref<10112x128xf32, #tpu.memory_space<vmem_shared>>
          tpu.wait_indirect_dma semaphore(%arg13 : memref<!tpu.dma_semaphore, #tpu.memory_space<semaphore_mem>>) src(%dma_wait3A_149 : memref<128x128xf32, #tpu.memory_space<vmem>>) dst(%dma_wait3A_155 : memref<10112x128xf32, #tpu.memory_space<vmem_shared>>)
          %add3A_156 = arith.constant 2 : i32
          %add3A_157 = arith.addi %mul3A_85, %add3A_156 : i32
          %dma_start3A_158 = arith.constant 0 : i32
          %dma_start3A_159 = arith.constant 0 : i32
          %dma_start3A_160 = arith.constant 0 : i32
          %dma_start3A_161 = tpu.memref_slice %arg9[%dma_start3A_158, %dma_start3A_159, %dma_start3A_160] : memref<2x128x128xf32, #tpu.memory_space<vmem>> -> memref<1x128x128xf32, #tpu.memory_space<vmem>>
          %dma_start3A_162 = tpu.memref_squeeze %dma_start3A_161 : memref<1x128x128xf32, #tpu.memory_space<vmem>> -> memref<128x128xf32, #tpu.memory_space<vmem>>
          %dma_start3A_163 = arith.constant 0 : i32
          %dma_start3A_164 = tpu.memref_slice %arg7[%add3A_157, %dma_start3A_163] : memref<40x128xi32, #tpu.memory_space<vmem>> -> memref<1x128xi32, #tpu.memory_space<vmem>>
          %dma_start3A_165 = tpu.memref_squeeze %dma_start3A_164 : memref<1x128xi32, #tpu.memory_space<vmem>> -> memref<128xi32, #tpu.memory_space<vmem>>
          %dma_start3A_166 = arith.constant 0 : i32
          %dma_start3A_167 = arith.constant 0 : i32
          %dma_start3A_168 = tpu.memref_slice %arg2[%dma_start3A_166, %dma_start3A_167] : memref<10000x128xf32, #tpu.memory_space<hbm>> -> memref<10000x128xf32, #tpu.memory_space<hbm>>
          tpu.enqueue_indirect_dma source(%dma_start3A_168 : memref<10000x128xf32, #tpu.memory_space<hbm>>) target(%dma_start3A_162 : memref<128x128xf32, #tpu.memory_space<vmem>>) offsets(%dma_start3A_165 : memref<128xi32, #tpu.memory_space<vmem>>) semaphore(%arg11 : memref<!tpu.dma_semaphore, #tpu.memory_space<semaphore_mem>>)
          %dma_wait3A_169 = arith.constant 1 : i32
          %dma_wait3A_170 = arith.constant 0 : i32
          %dma_wait3A_171 = arith.constant 0 : i32
          %dma_wait3A_172 = arith.constant 0 : i32
          %dma_wait3A_173 = tpu.memref_slice %arg9[%dma_wait3A_169, %dma_wait3A_171, %dma_wait3A_172] : memref<2x128x128xf32, #tpu.memory_space<vmem>> -> memref<1x128x128xf32, #tpu.memory_space<vmem>>
          %dma_wait3A_174 = tpu.memref_squeeze %dma_wait3A_173 : memref<1x128x128xf32, #tpu.memory_space<vmem>> -> memref<128x128xf32, #tpu.memory_space<vmem>>
          %dma_wait3A_175 = arith.constant 0 : i32
          %dma_wait3A_176 = tpu.memref_slice %arg8[%dma_wait3A_170, %dma_wait3A_175] : memref<40x128xi32, #tpu.memory_space<vmem>> -> memref<1x128xi32, #tpu.memory_space<vmem>>
          %dma_wait3A_177 = tpu.memref_squeeze %dma_wait3A_176 : memref<1x128xi32, #tpu.memory_space<vmem>> -> memref<128xi32, #tpu.memory_space<vmem>>
          %dma_wait3A_178 = arith.constant 0 : i32
          %dma_wait3A_179 = arith.constant 0 : i32
          %dma_wait3A_180 = tpu.memref_slice %arg10[%dma_wait3A_178, %dma_wait3A_179] : memref<10112x128xf32, #tpu.memory_space<vmem_shared>> -> memref<10112x128xf32, #tpu.memory_space<vmem_shared>>
          tpu.wait_indirect_dma semaphore(%arg14 : memref<!tpu.dma_semaphore, #tpu.memory_space<semaphore_mem>>) src(%dma_wait3A_174 : memref<128x128xf32, #tpu.memory_space<vmem>>) dst(%dma_wait3A_180 : memref<10112x128xf32, #tpu.memory_space<vmem_shared>>)
          %add3A_181 = arith.constant 3 : i32
          %add3A_182 = arith.addi %mul3A_85, %add3A_181 : i32
          %dma_start3A_183 = arith.constant 1 : i32
          %dma_start3A_184 = arith.constant 0 : i32
          %dma_start3A_185 = arith.constant 0 : i32
          %dma_start3A_186 = tpu.memref_slice %arg9[%dma_start3A_183, %dma_start3A_184, %dma_start3A_185] : memref<2x128x128xf32, #tpu.memory_space<vmem>> -> memref<1x128x128xf32, #tpu.memory_space<vmem>>
          %dma_start3A_187 = tpu.memref_squeeze %dma_start3A_186 : memref<1x128x128xf32, #tpu.memory_space<vmem>> -> memref<128x128xf32, #tpu.memory_space<vmem>>
          %dma_start3A_188 = arith.constant 0 : i32
          %dma_start3A_189 = tpu.memref_slice %arg7[%add3A_182, %dma_start3A_188] : memref<40x128xi32, #tpu.memory_space<vmem>> -> memref<1x128xi32, #tpu.memory_space<vmem>>
          %dma_start3A_190 = tpu.memref_squeeze %dma_start3A_189 : memref<1x128xi32, #tpu.memory_space<vmem>> -> memref<128xi32, #tpu.memory_space<vmem>>
          %dma_start3A_191 = arith.constant 0 : i32
          %dma_start3A_192 = arith.constant 0 : i32
          %dma_start3A_193 = tpu.memref_slice %arg2[%dma_start3A_191, %dma_start3A_192] : memref<10000x128xf32, #tpu.memory_space<hbm>> -> memref<10000x128xf32, #tpu.memory_space<hbm>>
          tpu.enqueue_indirect_dma source(%dma_start3A_193 : memref<10000x128xf32, #tpu.memory_space<hbm>>) target(%dma_start3A_187 : memref<128x128xf32, #tpu.memory_space<vmem>>) offsets(%dma_start3A_190 : memref<128xi32, #tpu.memory_space<vmem>>) semaphore(%arg12 : memref<!tpu.dma_semaphore, #tpu.memory_space<semaphore_mem>>)
        } else {
        }
      }
      %scan3A_82 = arith.constant 20 : i32
    }
    %dma_wait3A = arith.constant 0 : i32
    %dma_wait3A_17 = arith.constant 0 : i32
    %dma_wait3A_18 = arith.constant 0 : i32
    %dma_wait3A_19 = arith.constant 0 : i32
    %dma_wait3A_20 = tpu.memref_slice %arg9[%dma_wait3A, %dma_wait3A_18, %dma_wait3A_19] : memref<2x128x128xf32, #tpu.memory_space<vmem>> -> memref<1x128x128xf32, #tpu.memory_space<vmem>>
    %dma_wait3A_21 = tpu.memref_squeeze %dma_wait3A_20 : memref<1x128x128xf32, #tpu.memory_space<vmem>> -> memref<128x128xf32, #tpu.memory_space<vmem>>
    %dma_wait3A_22 = arith.constant 0 : i32
    %dma_wait3A_23 = tpu.memref_slice %arg8[%dma_wait3A_17, %dma_wait3A_22] : memref<40x128xi32, #tpu.memory_space<vmem>> -> memref<1x128xi32, #tpu.memory_space<vmem>>
    %dma_wait3A_24 = tpu.memref_squeeze %dma_wait3A_23 : memref<1x128xi32, #tpu.memory_space<vmem>> -> memref<128xi32, #tpu.memory_space<vmem>>
    %dma_wait3A_25 = arith.constant 0 : i32
    %dma_wait3A_26 = arith.constant 0 : i32
    %dma_wait3A_27 = tpu.memref_slice %arg10[%dma_wait3A_25, %dma_wait3A_26] : memref<10112x128xf32, #tpu.memory_space<vmem_shared>> -> memref<10112x128xf32, #tpu.memory_space<vmem_shared>>
    tpu.wait_indirect_dma semaphore(%arg13 : memref<!tpu.dma_semaphore, #tpu.memory_space<semaphore_mem>>) src(%dma_wait3A_21 : memref<128x128xf32, #tpu.memory_space<vmem>>) dst(%dma_wait3A_27 : memref<10112x128xf32, #tpu.memory_space<vmem_shared>>)
    %dma_wait3A_28 = arith.constant 1 : i32
    %dma_wait3A_29 = arith.constant 0 : i32
    %dma_wait3A_30 = arith.constant 0 : i32
    %dma_wait3A_31 = arith.constant 0 : i32
    %dma_wait3A_32 = tpu.memref_slice %arg9[%dma_wait3A_28, %dma_wait3A_30, %dma_wait3A_31] : memref<2x128x128xf32, #tpu.memory_space<vmem>> -> memref<1x128x128xf32, #tpu.memory_space<vmem>>
    %dma_wait3A_33 = tpu.memref_squeeze %dma_wait3A_32 : memref<1x128x128xf32, #tpu.memory_space<vmem>> -> memref<128x128xf32, #tpu.memory_space<vmem>>
    %dma_wait3A_34 = arith.constant 0 : i32
    %dma_wait3A_35 = tpu.memref_slice %arg8[%dma_wait3A_29, %dma_wait3A_34] : memref<40x128xi32, #tpu.memory_space<vmem>> -> memref<1x128xi32, #tpu.memory_space<vmem>>
    %dma_wait3A_36 = tpu.memref_squeeze %dma_wait3A_35 : memref<1x128xi32, #tpu.memory_space<vmem>> -> memref<128xi32, #tpu.memory_space<vmem>>
    %dma_wait3A_37 = arith.constant 0 : i32
    %dma_wait3A_38 = arith.constant 0 : i32
    %dma_wait3A_39 = tpu.memref_slice %arg10[%dma_wait3A_37, %dma_wait3A_38] : memref<10112x128xf32, #tpu.memory_space<vmem_shared>> -> memref<10112x128xf32, #tpu.memory_space<vmem_shared>>
    tpu.wait_indirect_dma semaphore(%arg14 : memref<!tpu.dma_semaphore, #tpu.memory_space<semaphore_mem>>) src(%dma_wait3A_33 : memref<128x128xf32, #tpu.memory_space<vmem>>) dst(%dma_wait3A_39 : memref<10112x128xf32, #tpu.memory_space<vmem_shared>>)
    %barrier3A_40 = arith.constant 0 : index
    tpu.barrier barrier_id(%barrier3A_40)
    %mul3A_41 = arith.constant 632 : i32
    %mul3A_42 = arith.muli %arg1, %mul3A_41 : i32
    %mul3A_43 = arith.constant 10112 : i32
    %mul3A_44 = arith.muli %arg0, %mul3A_43 : i32
    %mul3A_45 = arith.constant 632 : i32
    %mul3A_46 = arith.muli %arg1, %mul3A_45 : i32
    %add3A_47 = arith.addi %mul3A_44, %mul3A_46 : i32
    "tpu.region"() ({
      %run_scoped3A = tpu.sem_alloc : memref<!tpu.dma_semaphore, #tpu.memory_space<semaphore_mem>>
      %dma_start3A = arith.constant 0 : i32
      %dma_start3A_48 = tpu.memref_slice %arg6[%add3A_47, %dma_start3A] : memref<20224x128xf32, #tpu.memory_space<hbm>> -> memref<632x128xf32, #tpu.memory_space<hbm>>
      %dma_start3A_49 = arith.constant 0 : i32
      %dma_start3A_50 = tpu.memref_slice %arg10[%mul3A_42, %dma_start3A_49] : memref<10112x128xf32, #tpu.memory_space<vmem_shared>> -> memref<632x128xf32, #tpu.memory_space<vmem_shared>>
      tpu.enqueue_dma source(%dma_start3A_50 : memref<632x128xf32, #tpu.memory_space<vmem_shared>>) target(%dma_start3A_48 : memref<632x128xf32, #tpu.memory_space<hbm>>) target_semaphore(%run_scoped3A : memref<!tpu.dma_semaphore, #tpu.memory_space<semaphore_mem>>)
      %dma_wait3A_51 = arith.constant 0 : i32
      %dma_wait3A_52 = tpu.memref_slice %arg6[%add3A_47, %dma_wait3A_51] : memref<20224x128xf32, #tpu.memory_space<hbm>> -> memref<632x128xf32, #tpu.memory_space<hbm>>
      %dma_wait3A_53 = arith.constant 0 : i32
      %dma_wait3A_54 = tpu.memref_slice %arg10[%mul3A_42, %dma_wait3A_53] : memref<10112x128xf32, #tpu.memory_space<vmem_shared>> -> memref<632x128xf32, #tpu.memory_space<vmem_shared>>
      tpu.wait_dma2 semaphore(%run_scoped3A : memref<!tpu.dma_semaphore, #tpu.memory_space<semaphore_mem>>) src(%dma_wait3A_54 : memref<632x128xf32, #tpu.memory_space<vmem_shared>>) dst(%dma_wait3A_52 : memref<632x128xf32, #tpu.memory_space<hbm>>)
      tpu.yield
    }) : () -> ()
    return
  }
}

module attributes {stable_mosaic.version = 14 : i64} {
  func.func @body(%arg0: i32, %arg1: memref<1000x128xf32, #tpu.memory_space<vmem>>, %arg2: memref<128x128xf32, #tpu.memory_space<vmem>>, %arg3: memref<1000x32xf32, #tpu.memory_space<vmem>>, %arg4: memref<1000x128xf32, #tpu.memory_space<vmem>>) attributes {dimension_semantics = [#tpu.dimension_semantics<arbitrary>], iteration_bounds = array<i64: 10>, scalar_prefetch = 0 : i64, scratch_operands = 0 : i64, tpu.core_type = #tpu.core_type<tc>, window_params = [{transform_indices = @transform_0, window_bounds = array<i64: 1000, 128>}, {pipeline_mode = #tpu.pipeline_mode<synchronous>, transform_indices = @transform_1, window_bounds = array<i64: 128, 128>}, {transform_indices = @transform_2, window_bounds = array<i64: 1000, 32>}, {transform_indices = @transform_3, window_bounds = array<i64: 1000, 128>}]} {
    %get3A = arith.constant 0 : index
    %get3A_0 = arith.constant 0 : index
    %get3A_1 = vector.load %arg3[%get3A, %get3A_0] : memref<1000x32xf32, #tpu.memory_space<vmem>>, vector<1000x32xf32>
    %reduce_sum3A = arith.constant dense<0.000000e+00> : vector<1000xf32>
    %reduce_sum3A_2 = vector.multi_reduction <add>, %get3A_1, %reduce_sum3A [1] : vector<1000x32xf32> to vector<1000xf32>
    %add3A = arith.constant 1.000000e+00 : f32
    %add3A_3 = vector.broadcast %add3A : f32 to vector<1000xf32>
    %add3A_4 = arith.addf %add3A_3, %reduce_sum3A_2 : vector<1000xf32>
    %rsqrt3A = math.rsqrt %add3A_4 : vector<1000xf32>
    %get3A_5 = arith.constant 0 : index
    %get3A_6 = arith.constant 0 : index
    %get3A_7 = vector.load %arg1[%get3A_5, %get3A_6] : memref<1000x128xf32, #tpu.memory_space<vmem>>, vector<1000x128xf32>
    %get3A_8 = arith.constant 0 : index
    %get3A_9 = arith.constant 0 : index
    %get3A_10 = vector.load %arg2[%get3A_8, %get3A_9] : memref<128x128xf32, #tpu.memory_space<vmem>>, vector<128x128xf32>
    %dot_general3A = arith.constant dense<0.000000e+00> : vector<1000x128xf32>
    %dot_general3A_11 = tpu.matmul %get3A_7, %get3A_10, %dot_general3A {dimension_numbers = #tpu.dot_dimension_numbers<[1], [0], [0], [1], [0, 0, 1, 1], [], []>, transpose_lhs_hint = false} : vector<1000x128xf32>, vector<128x128xf32>, vector<1000x128xf32> -> vector<1000x128xf32>
    %broadcast_in_dim3A = vector.shape_cast %rsqrt3A : vector<1000xf32> to vector<1000x1xf32>
    %mul3A = vector.broadcast %broadcast_in_dim3A : vector<1000x1xf32> to vector<1000x128xf32>
    %mul3A_12 = arith.mulf %dot_general3A_11, %mul3A : vector<1000x128xf32>
    %swap3A = arith.constant 0 : index
    %swap3A_13 = arith.constant 0 : index
    %swap3A_14 = vector.load %arg4[%swap3A, %swap3A_13] : memref<1000x128xf32, #tpu.memory_space<vmem>>, vector<1000x128xf32>
    tpu.vector_store %arg4[%swap3A, %swap3A_13], %mul3A_12 {strides = array<i32>} : memref<1000x128xf32, #tpu.memory_space<vmem>>, vector<1000x128xf32>,
    return
  }
  func.func @transform_0(%arg0: i32) -> (i32, i32) {
    %c0_i32 = arith.constant 0 : i32
    %c0_i32_0 = arith.constant 0 : i32
    return %arg0, %c0_i32 : i32, i32
  }
  func.func @transform_1(%arg0: i32) -> (i32, i32) {
    %c0_i32 = arith.constant 0 : i32
    %c0_i32_0 = arith.constant 0 : i32
    %c0_i32_1 = arith.constant 0 : i32
    return %c0_i32, %c0_i32_0 : i32, i32
  }
  func.func @transform_2(%arg0: i32) -> (i32, i32) {
    %c0_i32 = arith.constant 0 : i32
    %c0_i32_0 = arith.constant 0 : i32
    return %arg0, %c0_i32 : i32, i32
  }
  func.func @transform_3(%arg0: i32) -> (i32, i32) {
    %c0_i32 = arith.constant 0 : i32
    %c0_i32_0 = arith.constant 0 : i32
    return %arg0, %c0_i32 : i32, i32
  }
}

module attributes {stable_mosaic.version = 14 : i64} {
  func.func @body(%arg0: i32, %arg1: memref<1000x128xf32, #tpu.memory_space<vmem>>, %arg2: memref<2x1000x128xf32, #tpu.memory_space<vmem>>, %arg3: memref<1000x32xf32, #tpu.memory_space<vmem>>, %arg4: memref<1x128xf32, #tpu.memory_space<vmem>>, %arg5: memref<128x128xf32, #tpu.memory_space<vmem>>, %arg6: memref<1000x128xf32, #tpu.memory_space<vmem>>) attributes {dimension_semantics = [#tpu.dimension_semantics<arbitrary>], iteration_bounds = array<i64: 10>, scalar_prefetch = 0 : i64, scratch_operands = 0 : i64, tpu.core_type = #tpu.core_type<tc>, window_params = [{transform_indices = @transform_0, window_bounds = array<i64: 1000, 128>}, {transform_indices = @transform_1, window_bounds = array<i64: 2, 1000, 128>}, {transform_indices = @transform_2, window_bounds = array<i64: 1000, 32>}, {pipeline_mode = #tpu.pipeline_mode<synchronous>, transform_indices = @transform_3, window_bounds = array<i64: 1, 128>}, {pipeline_mode = #tpu.pipeline_mode<synchronous>, transform_indices = @transform_4, window_bounds = array<i64: 128, 128>}, {transform_indices = @transform_5, window_bounds = array<i64: 1000, 128>}]} {
    %get3A = arith.constant 0 : index
    %get3A_0 = arith.constant 0 : index
    %get3A_1 = vector.load %arg3[%get3A, %get3A_0] : memref<1000x32xf32, #tpu.memory_space<vmem>>, vector<1000x32xf32>
    %reduce_sum3A = arith.constant dense<0.000000e+00> : vector<1000xf32>
    %reduce_sum3A_2 = vector.multi_reduction <add>, %get3A_1, %reduce_sum3A [1] : vector<1000x32xf32> to vector<1000xf32>
    %add3A = arith.constant 1.000000e+00 : f32
    %add3A_3 = vector.broadcast %add3A : f32 to vector<1000xf32>
    %add3A_4 = arith.addf %add3A_3, %reduce_sum3A_2 : vector<1000xf32>
    %rsqrt3A = math.rsqrt %add3A_4 : vector<1000xf32>
    %get3A_5 = arith.constant 0 : index
    %get3A_6 = arith.constant 0 : index
    %get3A_7 = arith.constant 0 : index
    %get3A_8 = vector.load %arg2[%get3A_5, %get3A_6, %get3A_7] : memref<2x1000x128xf32, #tpu.memory_space<vmem>>, vector<2x1000x128xf32>
    %slice3A = vector.extract_strided_slice %get3A_8 {offsets = [0, 0, 0], sizes = [1, 1000, 128], strides = [1, 1, 1]} : vector<2x1000x128xf32> to vector<1x1000x128xf32>
    %squeeze3A = vector.shape_cast %slice3A : vector<1x1000x128xf32> to vector<1000x128xf32>
    %slice3A_9 = vector.extract_strided_slice %get3A_8 {offsets = [1, 0, 0], sizes = [1, 1000, 128], strides = [1, 1, 1]} : vector<2x1000x128xf32> to vector<1x1000x128xf32>
    %squeeze3A_10 = vector.shape_cast %slice3A_9 : vector<1x1000x128xf32> to vector<1000x128xf32>
    %add3A_11 = arith.addf %squeeze3A, %squeeze3A_10 : vector<1000x128xf32>
    %get3A_12 = arith.constant 0 : index
    %get3A_13 = arith.constant 0 : index
    %get3A_14 = vector.load %arg1[%get3A_12, %get3A_13] : memref<1000x128xf32, #tpu.memory_space<vmem>>, vector<1000x128xf32>
    %add3A_15 = arith.addf %add3A_11, %get3A_14 : vector<1000x128xf32>
    %broadcast_in_dim3A = vector.shape_cast %rsqrt3A : vector<1000xf32> to vector<1000x1xf32>
    %mul3A = vector.broadcast %broadcast_in_dim3A : vector<1000x1xf32> to vector<1000x128xf32>
    %mul3A_16 = arith.mulf %add3A_15, %mul3A : vector<1000x128xf32>
    %get3A_17 = arith.constant 0 : index
    %get3A_18 = arith.constant 0 : index
    %get3A_19 = vector.load %arg4[%get3A_17, %get3A_18] : memref<1x128xf32, #tpu.memory_space<vmem>>, vector<1x128xf32>
    %add3A_20 = vector.broadcast %get3A_19 : vector<1x128xf32> to vector<1000x128xf32>
    %add3A_21 = arith.addf %mul3A_16, %add3A_20 : vector<1000x128xf32>
    %ge3A = arith.constant 0.000000e+00 : f32
    %ge3A_22 = vector.broadcast %ge3A : f32 to vector<1000x128xf32>
    %ge3A_23 = arith.cmpf oge, %add3A_21, %ge3A_22 : vector<1000x128xf32>
    %mul3A_24 = arith.constant 2.000000e-01 : f32
    %mul3A_25 = vector.broadcast %mul3A_24 : f32 to vector<1000x128xf32>
    %mul3A_26 = arith.mulf %mul3A_25, %add3A_21 : vector<1000x128xf32>
    %select_n3A = arith.select %ge3A_23, %add3A_21, %mul3A_26 : vector<1000x128xi1>, vector<1000x128xf32>
    %get3A_27 = arith.constant 0 : index
    %get3A_28 = arith.constant 0 : index
    %get3A_29 = vector.load %arg5[%get3A_27, %get3A_28] : memref<128x128xf32, #tpu.memory_space<vmem>>, vector<128x128xf32>
    %dot_general3A = arith.constant dense<0.000000e+00> : vector<1000x128xf32>
    %dot_general3A_30 = tpu.matmul %select_n3A, %get3A_29, %dot_general3A {dimension_numbers = #tpu.dot_dimension_numbers<[1], [0], [0], [1], [0, 0, 1, 1], [], []>, transpose_lhs_hint = false} : vector<1000x128xf32>, vector<128x128xf32>, vector<1000x128xf32> -> vector<1000x128xf32>
    %broadcast_in_dim3A_31 = vector.shape_cast %rsqrt3A : vector<1000xf32> to vector<1000x1xf32>
    %mul3A_32 = vector.broadcast %broadcast_in_dim3A_31 : vector<1000x1xf32> to vector<1000x128xf32>
    %mul3A_33 = arith.mulf %dot_general3A_30, %mul3A_32 : vector<1000x128xf32>
    %swap3A = arith.constant 0 : index
    %swap3A_34 = arith.constant 0 : index
    %swap3A_35 = vector.load %arg6[%swap3A, %swap3A_34] : memref<1000x128xf32, #tpu.memory_space<vmem>>, vector<1000x128xf32>
    tpu.vector_store %arg6[%swap3A, %swap3A_34], %mul3A_33 {strides = array<i32>} : memref<1000x128xf32, #tpu.memory_space<vmem>>, vector<1000x128xf32>,
    return
  }
  func.func @transform_0(%arg0: i32) -> (i32, i32) {
    %c0_i32 = arith.constant 0 : i32
    %c0_i32_0 = arith.constant 0 : i32
    return %arg0, %c0_i32 : i32, i32
  }
  func.func @transform_1(%arg0: i32) -> (i32, i32, i32) {
    %c0_i32 = arith.constant 0 : i32
    %c0_i32_0 = arith.constant 0 : i32
    %c0_i32_1 = arith.constant 0 : i32
    return %c0_i32, %arg0, %c0_i32_0 : i32, i32, i32
  }
  func.func @transform_2(%arg0: i32) -> (i32, i32) {
    %c0_i32 = arith.constant 0 : i32
    %c0_i32_0 = arith.constant 0 : i32
    return %arg0, %c0_i32 : i32, i32
  }
  func.func @transform_3(%arg0: i32) -> (i32, i32) {
    %c0_i32 = arith.constant 0 : i32
    %c0_i32_0 = arith.constant 0 : i32
    %c0_i32_1 = arith.constant 0 : i32
    return %c0_i32, %c0_i32_0 : i32, i32
  }
  func.func @transform_4(%arg0: i32) -> (i32, i32) {
    %c0_i32 = arith.constant 0 : i32
    %c0_i32_0 = arith.constant 0 : i32
    %c0_i32_1 = arith.constant 0 : i32
    return %c0_i32, %c0_i32_0 : i32, i32
  }
  func.func @transform_5(%arg0: i32) -> (i32, i32) {
    %c0_i32 = arith.constant 0 : i32
    %c0_i32_0 = arith.constant 0 : i32
    return %arg0, %c0_i32 : i32, i32
  }
}

module attributes {stable_mosaic.version = 14 : i64} {
  func.func @body(%arg0: i32, %arg1: memref<1000x128xf32, #tpu.memory_space<vmem>>, %arg2: memref<2x1000x128xf32, #tpu.memory_space<vmem>>, %arg3: memref<1000x32xf32, #tpu.memory_space<vmem>>, %arg4: memref<1x128xf32, #tpu.memory_space<vmem>>, %arg5: memref<128x1xf32, #tpu.memory_space<vmem>>, %arg6: memref<1x1xf32, #tpu.memory_space<vmem>>, %arg7: memref<1x1x1000xi32, #tpu.memory_space<vmem>>, %arg8: memref<64x1xf32, #tpu.memory_space<vmem>>, %arg9: memref<64x128xf32, #tpu.memory_space<vmem>>, %arg10: memref<64x128xf32, #tpu.memory_space<vmem>>) attributes {dimension_semantics = [#tpu.dimension_semantics<arbitrary>], iteration_bounds = array<i64: 10>, scalar_prefetch = 0 : i64, scratch_operands = 2 : i64, tpu.core_type = #tpu.core_type<tc>, window_params = [{transform_indices = @transform_0, window_bounds = array<i64: 1000, 128>}, {transform_indices = @transform_1, window_bounds = array<i64: 2, 1000, 128>}, {transform_indices = @transform_2, window_bounds = array<i64: 1000, 32>}, {pipeline_mode = #tpu.pipeline_mode<synchronous>, transform_indices = @transform_3, window_bounds = array<i64: 1, 128>}, {pipeline_mode = #tpu.pipeline_mode<synchronous>, transform_indices = @transform_4, window_bounds = array<i64: 128, 1>}, {pipeline_mode = #tpu.pipeline_mode<synchronous>, transform_indices = @transform_5, window_bounds = array<i64: 1, 1>}, {transform_indices = @transform_6, window_bounds = array<i64: 1, 1, 1000>}, {pipeline_mode = #tpu.pipeline_mode<synchronous>, transform_indices = @transform_7, window_bounds = array<i64: 64, 1>}]} {
    %get3A = arith.constant 0 : index
    %get3A_0 = arith.constant 0 : index
    %get3A_1 = vector.load %arg3[%get3A, %get3A_0] : memref<1000x32xf32, #tpu.memory_space<vmem>>, vector<1000x32xf32>
    %reduce_sum3A = arith.constant dense<0.000000e+00> : vector<1000xf32>
    %reduce_sum3A_2 = vector.multi_reduction <add>, %get3A_1, %reduce_sum3A [1] : vector<1000x32xf32> to vector<1000xf32>
    %add3A = arith.constant 1.000000e+00 : f32
    %add3A_3 = vector.broadcast %add3A : f32 to vector<1000xf32>
    %add3A_4 = arith.addf %add3A_3, %reduce_sum3A_2 : vector<1000xf32>
    %rsqrt3A = math.rsqrt %add3A_4 : vector<1000xf32>
    %get3A_5 = arith.constant 0 : index
    %get3A_6 = arith.constant 0 : index
    %get3A_7 = arith.constant 0 : index
    %get3A_8 = vector.load %arg2[%get3A_5, %get3A_6, %get3A_7] : memref<2x1000x128xf32, #tpu.memory_space<vmem>>, vector<2x1000x128xf32>
    %slice3A = vector.extract_strided_slice %get3A_8 {offsets = [0, 0, 0], sizes = [1, 1000, 128], strides = [1, 1, 1]} : vector<2x1000x128xf32> to vector<1x1000x128xf32>
    %squeeze3A = vector.shape_cast %slice3A : vector<1x1000x128xf32> to vector<1000x128xf32>
    %slice3A_9 = vector.extract_strided_slice %get3A_8 {offsets = [1, 0, 0], sizes = [1, 1000, 128], strides = [1, 1, 1]} : vector<2x1000x128xf32> to vector<1x1000x128xf32>
    %squeeze3A_10 = vector.shape_cast %slice3A_9 : vector<1x1000x128xf32> to vector<1000x128xf32>
    %add3A_11 = arith.addf %squeeze3A, %squeeze3A_10 : vector<1000x128xf32>
    %get3A_12 = arith.constant 0 : index
    %get3A_13 = arith.constant 0 : index
    %get3A_14 = vector.load %arg1[%get3A_12, %get3A_13] : memref<1000x128xf32, #tpu.memory_space<vmem>>, vector<1000x128xf32>
    %add3A_15 = arith.addf %add3A_11, %get3A_14 : vector<1000x128xf32>
    %broadcast_in_dim3A = vector.shape_cast %rsqrt3A : vector<1000xf32> to vector<1000x1xf32>
    %mul3A = vector.broadcast %broadcast_in_dim3A : vector<1000x1xf32> to vector<1000x128xf32>
    %mul3A_16 = arith.mulf %add3A_15, %mul3A : vector<1000x128xf32>
    %get3A_17 = arith.constant 0 : index
    %get3A_18 = arith.constant 0 : index
    %get3A_19 = vector.load %arg4[%get3A_17, %get3A_18] : memref<1x128xf32, #tpu.memory_space<vmem>>, vector<1x128xf32>
    %add3A_20 = vector.broadcast %get3A_19 : vector<1x128xf32> to vector<1000x128xf32>
    %add3A_21 = arith.addf %mul3A_16, %add3A_20 : vector<1000x128xf32>
    %ge3A = arith.constant 0.000000e+00 : f32
    %ge3A_22 = vector.broadcast %ge3A : f32 to vector<1000x128xf32>
    %ge3A_23 = arith.cmpf oge, %add3A_21, %ge3A_22 : vector<1000x128xf32>
    %mul3A_24 = arith.constant 2.000000e-01 : f32
    %mul3A_25 = vector.broadcast %mul3A_24 : f32 to vector<1000x128xf32>
    %mul3A_26 = arith.mulf %mul3A_25, %add3A_21 : vector<1000x128xf32>
    %select_n3A = arith.select %ge3A_23, %add3A_21, %mul3A_26 : vector<1000x128xi1>, vector<1000x128xf32>
    %get3A_27 = arith.constant 0 : index
    %get3A_28 = arith.constant 0 : index
    %get3A_29 = arith.constant 0 : index
    %get3A_30 = vector.load %arg7[%get3A_27, %get3A_28, %get3A_29] : memref<1x1x1000xi32, #tpu.memory_space<vmem>>, vector<1x1x1000xi32>
    %get3A_31 = vector.shape_cast %get3A_30 : vector<1x1x1000xi32> to vector<1000xi32>
    %broadcast_in_dim3A_32 = vector.shape_cast %get3A_31 : vector<1000xi32> to vector<1000x1xi32>
    %iota3A = tpu.iota {dimensions = array<i32: 1>} : vector<1000x64xi32>
    %eq3A = vector.broadcast %broadcast_in_dim3A_32 : vector<1000x1xi32> to vector<1000x64xi32>
    %eq3A_33 = arith.cmpi eq, %eq3A, %iota3A : vector<1000x64xi32>
    %convert_element_type3A = arith.extui %eq3A_33 : vector<1000x64xi1> to vector<1000x64xi32>
    %convert_element_type3A_34 = arith.sitofp %convert_element_type3A : vector<1000x64xi32> to vector<1000x64xf32>
    %eq3A_35 = arith.constant 0 : i32
    %eq3A_36 = arith.cmpi eq, %arg0, %eq3A_35 : i32
    %convert_element_type3A_37 = arith.extui %eq3A_36 : i1 to i32
    %cond3A = arith.constant 0 : i32
    %cond3A_38 = arith.cmpi ne, %convert_element_type3A_37, %cond3A : i32
    scf.if %cond3A_38 {
      %broadcast_in_dim3A_62 = arith.constant 0.000000e+00 : f32
      %broadcast_in_dim3A_63 = vector.broadcast %broadcast_in_dim3A_62 : f32 to vector<64x128xf32>
      %swap3A_64 = arith.constant 0 : index
      %swap3A_65 = arith.constant 0 : index
      %swap3A_66 = vector.load %arg9[%swap3A_64, %swap3A_65] : memref<64x128xf32, #tpu.memory_space<vmem>>, vector<64x128xf32>
      tpu.vector_store %arg9[%swap3A_64, %swap3A_65], %broadcast_in_dim3A_63 {strides = array<i32>} : memref<64x128xf32, #tpu.memory_space<vmem>>, vector<64x128xf32>,
      %broadcast_in_dim3A_67 = arith.constant 0.000000e+00 : f32
      %broadcast_in_dim3A_68 = vector.broadcast %broadcast_in_dim3A_67 : f32 to vector<64x128xf32>
      %swap3A_69 = arith.constant 0 : index
      %swap3A_70 = arith.constant 0 : index
      %swap3A_71 = vector.load %arg10[%swap3A_69, %swap3A_70] : memref<64x128xf32, #tpu.memory_space<vmem>>, vector<64x128xf32>
      tpu.vector_store %arg10[%swap3A_69, %swap3A_70], %broadcast_in_dim3A_68 {strides = array<i32>} : memref<64x128xf32, #tpu.memory_space<vmem>>, vector<64x128xf32>,
    } else {
    }
    %get3A_39 = arith.constant 0 : index
    %get3A_40 = arith.constant 0 : index
    %get3A_41 = vector.load %arg9[%get3A_39, %get3A_40] : memref<64x128xf32, #tpu.memory_space<vmem>>, vector<64x128xf32>
    %dot_general3A = arith.constant dense<0.000000e+00> : vector<64x128xf32>
    %dot_general3A_42 = tpu.matmul %convert_element_type3A_34, %select_n3A, %dot_general3A {dimension_numbers = #tpu.dot_dimension_numbers<[0], [0], [1], [1], [0, 1, 1, 1], [], []>, transpose_lhs_hint = false} : vector<1000x64xf32>, vector<1000x128xf32>, vector<64x128xf32> -> vector<64x128xf32>
    %add3A_43 = arith.addf %get3A_41, %dot_general3A_42 : vector<64x128xf32>
    %swap3A = arith.constant 0 : index
    %swap3A_44 = arith.constant 0 : index
    %swap3A_45 = vector.load %arg9[%swap3A, %swap3A_44] : memref<64x128xf32, #tpu.memory_space<vmem>>, vector<64x128xf32>
    tpu.vector_store %arg9[%swap3A, %swap3A_44], %add3A_43 {strides = array<i32>} : memref<64x128xf32, #tpu.memory_space<vmem>>, vector<64x128xf32>,
    %get3A_46 = arith.constant 0 : index
    %get3A_47 = arith.constant 0 : index
    %get3A_48 = vector.load %arg10[%get3A_46, %get3A_47] : memref<64x128xf32, #tpu.memory_space<vmem>>, vector<64x128xf32>
    %broadcast_in_dim3A_49 = arith.constant 1.000000e+00 : f32
    %broadcast_in_dim3A_50 = vector.broadcast %broadcast_in_dim3A_49 : f32 to vector<1000x128xf32>
    %dot_general3A_51 = arith.constant dense<0.000000e+00> : vector<64x128xf32>
    %dot_general3A_52 = tpu.matmul %convert_element_type3A_34, %broadcast_in_dim3A_50, %dot_general3A_51 {dimension_numbers = #tpu.dot_dimension_numbers<[0], [0], [1], [1], [0, 1, 1, 1], [], []>, transpose_lhs_hint = false} : vector<1000x64xf32>, vector<1000x128xf32>, vector<64x128xf32> -> vector<64x128xf32>
    %add3A_53 = arith.addf %get3A_48, %dot_general3A_52 : vector<64x128xf32>
    %swap3A_54 = arith.constant 0 : index
    %swap3A_55 = arith.constant 0 : index
    %swap3A_56 = vector.load %arg10[%swap3A_54, %swap3A_55] : memref<64x128xf32, #tpu.memory_space<vmem>>, vector<64x128xf32>
    tpu.vector_store %arg10[%swap3A_54, %swap3A_55], %add3A_53 {strides = array<i32>} : memref<64x128xf32, #tpu.memory_space<vmem>>, vector<64x128xf32>,
    %eq3A_57 = arith.constant 9 : i32
    %eq3A_58 = arith.cmpi eq, %arg0, %eq3A_57 : i32
    %convert_element_type3A_59 = arith.extui %eq3A_58 : i1 to i32
    %cond3A_60 = arith.constant 0 : i32
    %cond3A_61 = arith.cmpi ne, %convert_element_type3A_59, %cond3A_60 : i32
    scf.if %cond3A_61 {
      %get3A_62 = arith.constant 0 : index
      %get3A_63 = arith.constant 0 : index
      %get3A_64 = vector.load %arg9[%get3A_62, %get3A_63] : memref<64x128xf32, #tpu.memory_space<vmem>>, vector<64x128xf32>
      %get3A_65 = arith.constant 0 : index
      %get3A_66 = arith.constant 0 : index
      %get3A_67 = vector.load %arg10[%get3A_65, %get3A_66] : memref<64x128xf32, #tpu.memory_space<vmem>>, vector<64x128xf32>
      %max3A = arith.constant 1.000000e+00 : f32
      %max3A_68 = vector.broadcast %max3A : f32 to vector<64x128xf32>
      %max3A_69 = arith.maximumf %get3A_67, %max3A_68 : vector<64x128xf32>
      %div3A = arith.divf %get3A_64, %max3A_69 : vector<64x128xf32>
      %get3A_70 = arith.constant 0 : index
      %get3A_71 = arith.constant 0 : index
      %get3A_72 = vector.load %arg5[%get3A_70, %get3A_71] : memref<128x1xf32, #tpu.memory_space<vmem>>, vector<128x1xf32>
      %dot_general3A_73 = arith.constant dense<0.000000e+00> : vector<64x1xf32>
      %dot_general3A_74 = tpu.matmul %div3A, %get3A_72, %dot_general3A_73 {dimension_numbers = #tpu.dot_dimension_numbers<[1], [0], [0], [1], [0, 0, 1, 1], [], []>, transpose_lhs_hint = false} : vector<64x128xf32>, vector<128x1xf32>, vector<64x1xf32> -> vector<64x1xf32>
      %get3A_75 = arith.constant 0 : index
      %get3A_76 = arith.constant 0 : index
      %get3A_77 = vector.load %arg6[%get3A_75, %get3A_76] : memref<1x1xf32, #tpu.memory_space<vmem>>, vector<1x1xf32>
      %get3A_78 = vector.extract %get3A_77[0, 0] : f32 from vector<1x1xf32>
      %add3A_79 = vector.broadcast %get3A_78 : f32 to vector<64x1xf32>
      %add3A_80 = arith.addf %dot_general3A_74, %add3A_79 : vector<64x1xf32>
      %swap3A_81 = arith.constant 0 : index
      %swap3A_82 = arith.constant 0 : index
      %swap3A_83 = vector.load %arg8[%swap3A_81, %swap3A_82] : memref<64x1xf32, #tpu.memory_space<vmem>>, vector<64x1xf32>
      tpu.vector_store %arg8[%swap3A_81, %swap3A_82], %add3A_80 {strides = array<i32>} : memref<64x1xf32, #tpu.memory_space<vmem>>, vector<64x1xf32>,
    } else {
    }
    return
  }
  func.func @transform_0(%arg0: i32) -> (i32, i32) {
    %c0_i32 = arith.constant 0 : i32
    %c0_i32_0 = arith.constant 0 : i32
    return %arg0, %c0_i32 : i32, i32
  }
  func.func @transform_1(%arg0: i32) -> (i32, i32, i32) {
    %c0_i32 = arith.constant 0 : i32
    %c0_i32_0 = arith.constant 0 : i32
    %c0_i32_1 = arith.constant 0 : i32
    return %c0_i32, %arg0, %c0_i32_0 : i32, i32, i32
  }
  func.func @transform_2(%arg0: i32) -> (i32, i32) {
    %c0_i32 = arith.constant 0 : i32
    %c0_i32_0 = arith.constant 0 : i32
    return %arg0, %c0_i32 : i32, i32
  }
  func.func @transform_3(%arg0: i32) -> (i32, i32) {
    %c0_i32 = arith.constant 0 : i32
    %c0_i32_0 = arith.constant 0 : i32
    %c0_i32_1 = arith.constant 0 : i32
    return %c0_i32, %c0_i32_0 : i32, i32
  }
  func.func @transform_4(%arg0: i32) -> (i32, i32) {
    %c0_i32 = arith.constant 0 : i32
    %c0_i32_0 = arith.constant 0 : i32
    %c0_i32_1 = arith.constant 0 : i32
    return %c0_i32, %c0_i32_0 : i32, i32
  }
  func.func @transform_5(%arg0: i32) -> (i32, i32) {
    %c0_i32 = arith.constant 0 : i32
    %c0_i32_0 = arith.constant 0 : i32
    %c0_i32_1 = arith.constant 0 : i32
    return %c0_i32, %c0_i32_0 : i32, i32
  }
  func.func @transform_6(%arg0: i32) -> (i32, i32, i32) {
    %c0_i32 = arith.constant 0 : i32
    %c0_i32_0 = arith.constant 0 : i32
    %c0_i32_1 = arith.constant 0 : i32
    return %arg0, %c0_i32, %c0_i32_0 : i32, i32, i32
  }
  func.func @transform_7(%arg0: i32) -> (i32, i32) {
    %c0_i32 = arith.constant 0 : i32
    %c0_i32_0 = arith.constant 0 : i32
    %c0_i32_1 = arith.constant 0 : i32
    return %c0_i32, %c0_i32_0 : i32, i32
  }
}

</mosaic_0001>

<sc_bundles>
// kernel: kernel.11.cloned.1.call-start
scs
__scs_entry_jumppad:
0x0: {  	(pc) =	sbr.rel $0x88, $3  }
0x1: {  	(tag) =	ssettag $0x0;
	lr =	simm.s32 $0x1  }
0x2: {  	[smem:$0x3F98] =	sst lr;
	_ =	strace $0xD0000000  }
0x3: {  	_ = 	snop  }
0x4: {  	_ = 	snop  }
0x5: {  	_ = 	snop  }
0x6: {  	_ = 	snop  }
0x7: {  	_ = 	snop  }
__scs_overlays_trampoline_lowered:
0x8: {  	[smem:$0x3FA7] =	sst s0  }
0x9: {  	[smem:$0x3FA8] =	sst s1  }
0xa: {  	[smem:$0x3FA9] =	sst s2  }
0xb: {  	[smem:$0x3FAA] =	sst s3  }
0xc: {  	[smem:$0x3FAB] =	sst s4  }
0xd: {  	[smem:$0x3FAC] =	sst s5  }
0xe: {  	[smem:$0x3FAD] =	sst s6  }
0xf: {  	[smem:$0x3FAE] =	sst s7  }
0x10: {  	[smem:$0x3FAF] =	sst s8  }
0x11: {  	[smem:$0x3FB0] =	sst s9;
	s0 =	simm.s32 @!p0 $0x0  }
0x12: {  	s1 =	sld [smem:$0x3F96];
	s0 =	simm.s32 @p0 $0x1  }
0x13: {  	[smem:$0x3FB1] =	sst s0;
	s0 =	simm.s32 @!p1 $0x0  }
0x14: {  	s2 =	sld [smem:$0x3F95];
	s0 =	simm.s32 @p1 $0x1  }
0x15: {  	[smem:$0x3FB2] =	sst s0;
	s0 =	simm.s32 @!p2 $0x0  }
0x16: {  	s3 =	sld [smem:$0x3FDB];
	s0 =	simm.s32 @p2 $0x1  }
0x17: {  	s4 =	simm.s32 $0x1BF5;
	[smem:$0x3FB4] =	sst s0  }
0x18: {  	s0 =	sld [smem:$0x3F97];
	_ =	swait.ge [sflag:s4], $0x0  }
0x19: {  	s7 =	sld [smem:$0x3F98]  }
0x1a: {  	s8 =	sadd.s32 $0xFFFFE003, lr  }
0x1b: {  	s9 =	sadd.s32 $0xFFFFFEF7, lr;
	s5 =	simm.s32 $0xFFFFFFFF;
	p2 =	slt.u32 s8, $0xFFFFF086  }
0x1c: {  	p1 =	slt.u32 s9, $0xF7A;
	s5 =	simm.s32 @!p2 $0x0  }
0x1d: {  	s5 =	simm.s32 @p1 $0x1;
	p0 =	seq.s32 s7, s2  }
0x1e: {  	s7 =	smul.u32 @!p0 $0xF7A, s2;
	p2 =	seq.s32 @!p0 s5, $0x0  }
0x1f: {  	s9 =	smul.u32 $0xF7A, s1;
	s8 =	simm.s32 @!p0 $0x1BF5;
	p2 =	por !p2, p0  }
0x20: {  	[sflag:s8] =	ssyncset.s32 @!p0 $0xFFFFF086;
	s6 =	sadd.s32 @!p0 s3, s7;
	s7 =	simm.s32 @!p0 $0x108  }
0x21: {  	s3 =	sadd.s32 s3, s9;
	s6 =	sadd.s32 @!p0 $0x88, s6;
	s7 =	simm.s32 @p2 $0x1082  }
0x22: {  	[simem:s7], [sflag:s8] =	dma.local @!p0 [hbm:s6], $0xF7A  }
0x23: {  	s9 =	sor.u32 $0xD0000000, s2;
	s6 =	simm.s32 $0x108;
	_ =	swait.ge @!p0 [sflag:s8], $0x0  }
0x24: {  	s3 =	sadd.s32 $0x88, s3;
	s6 =	simm.s32 @!p1 $0x1082;
	[sflag:s4] =	ssyncset.s32 $0xFFFFF086  }
0x25: {  	[simem:s6], [sflag:s4] =	dma.local [hbm:s3], $0xF7A  }
0x26: {  	[smem:$0x3F98] =	sst s1;
	(tag) =	ssettag s2;
	_ =	strace s9  }
0x27: {  	s1 =	sld [smem:$0x3FA8]  }
0x28: {  	s2 =	sld [smem:$0x3FA9]  }
0x29: {  	s4 =	sld [smem:$0x3FAB]  }
0x2a: {  	p0 =	seq.s32 s5, $0x0;
	s5 =	sld [smem:$0x3FAC]  }
0x2b: {  	s6 =	sld [smem:$0x3FAD]  }
0x2c: {  	s7 =	sld [smem:$0x3FAE]  }
0x2d: {  	s3 =	simm.s32 $0x108;
	s8 =	sld [smem:$0x3FAF]  }
0x2e: {  	s3 =	simm.s32 @!p0 $0x1082;
	s9 =	sld [smem:$0x3FB0]  }
0x2f: {  	lr =	sadd.s32 s0, s3;
	s0 =	sld [smem:$0x3FA7]  }
0x30: {  	s3 =	sld [smem:$0x3FAA]  }
0x31: {  	[smem:$0x3FB3] =	sst s10  }
0x32: {  	s10 =	sld [smem:$0x3FB1];
	_ =	sdelay $0x3  }
0x33: {  	p0 =	seq.s32 s10, $0x1;
	s10 =	sld [smem:$0x3FB3];
	_ =	sdelay $0x3  }
0x34: {  	[smem:$0x3FB3] =	sst s10  }
0x35: {  	s10 =	sld [smem:$0x3FB2];
	_ =	sdelay $0x3  }
0x36: {  	p1 =	seq.s32 s10, $0x1;
	s10 =	sld [smem:$0x3FB3];
	_ =	sdelay $0x3  }
0x37: {  	[smem:$0x3FB3] =	sst s10  }
0x38: {  	s10 =	sld [smem:$0x3FB4]  }
0x39: {  	_ = 	snop;
	(pc) =	sbr.ind lr, $3  }
0x3a: {  	_ = 	snop  }
0x3b: {  	_ = 	snop  }
0x3c: {  	p2 =	seq.s32 s10, $0x1;
	s10 =	sld [smem:$0x3FB3]  }
0x3d: {  	_ =	shalt  }
0x3e: {  	_ =	shalt  }
0x3f: {  	_ =	shalt  }
0x40: {  	_ =	shalt  }
0x41: {  	_ =	shalt  }
0x42: {  	_ =	shalt  }
0x43: {  	_ =	shalt  }
0x44: {  	_ =	shalt  }
0x45: {  	_ =	shalt  }
0x46: {  	_ =	shalt  }
0x47: {  	_ =	shalt  }
0x48: {  	_ =	shalt  }
0x49: {  	_ =	shalt  }
0x4a: {  	_ =	shalt  }
0x4b: {  	_ =	shalt  }
0x4c: {  	_ =	shalt  }
0x4d: {  	_ =	shalt  }
0x4e: {  	_ =	shalt  }
0x4f: {  	_ =	shalt  }
0x50: {  	_ =	shalt  }
0x51: {  	_ =	shalt  }
0x52: {  	_ =	shalt  }
0x53: {  	_ =	shalt  }
0x54: {  	_ =	shalt  }
0x55: {  	_ =	shalt  }
0x56: {  	_ =	shalt  }
0x57: {  	_ =	shalt  }
0x58: {  	_ =	shalt  }
0x59: {  	_ =	shalt  }
0x5a: {  	_ =	shalt  }
0x5b: {  	_ =	shalt  }
0x5c: {  	_ =	shalt  }
0x5d: {  	_ =	shalt  }
0x5e: {  	_ =	shalt  }
0x5f: {  	_ =	shalt  }
0x60: {  	_ =	shalt  }
0x61: {  	_ =	shalt  }
0x62: {  	_ =	shalt  }
0x63: {  	_ =	shalt  }
0x64: {  	_ =	shalt  }
0x65: {  	_ =	shalt  }
0x66: {  	_ =	shalt  }
0x67: {  	_ =	shalt  }
0x68: {  	_ =	shalt  }
0x69: {  	_ =	shalt  }
0x6a: {  	_ =	shalt  }
0x6b: {  	_ =	shalt  }
0x6c: {  	_ =	shalt  }
0x6d: {  	_ =	shalt  }
0x6e: {  	_ =	shalt  }
0x6f: {  	_ =	shalt  }
0x70: {  	_ =	shalt  }
0x71: {  	_ =	shalt  }
0x72: {  	_ =	shalt  }
0x73: {  	_ =	shalt  }
0x74: {  	_ =	shalt  }
0x75: {  	_ =	shalt  }
0x76: {  	_ =	shalt  }
0x77: {  	_ =	shalt  }
0x78: {  	_ =	shalt  }
0x79: {  	_ =	shalt  }
0x7a: {  	_ =	shalt  }
0x7b: {  	_ =	shalt  }
0x7c: {  	_ =	shalt  }
0x7d: {  	_ =	shalt  }
0x7e: {  	_ =	shalt  }
0x7f: {  	_ =	shalt  }
0x80: {  	_ =	shalt  }
0x81: {  	_ =	shalt  }
0x82: {  	_ =	shalt  }
0x83: {  	_ =	shalt  }
0x84: {  	_ =	shalt  }
0x85: {  	_ =	shalt  }
0x86: {  	_ =	shalt  }
0x87: {  	_ =	shalt  }
.Lfunc_end0:
.L_simem_size_0:
called_computation.1_lowered:
.L_overlay_start_0:
0x88: {  	s2 =	sld [smem:$0x3FD9]  }
0x89: {  	s3 =	sld [smem:$0x3FFE];
	_ =	sdelay $0x1  }
0x8a: {  	s1 =	srdreg.scid  }
0x8b: {  	s0 =	sand.u32 $0x1, s1  }
0x8c: {  	s16 =	sshll.u32 s0, $0xA;
	s2 =	sadd.s32 s3, s2  }
0x8d: {  	s2 =	sadd.s32 s2, s16  }
0x8e: {  	[smem:$0x3FBF] =	sst s2  }
0x8f: {  	_ = 	snop  }
0x90: {  	(tm) =	ssettm $0x1  }
0x91: {  	s17 =	sld [smem:$0x3FFB];
	_ =	sdelay $0x3  }
0x92: {  	_ =	strace s17  }
0x93: {  	s2 =	sld [smem:$0x3FFC];
	_ =	sdelay $0x3  }
0x94: {  	_ =	strace s2  }
0x95: {  	s2 =	sld [smem:$0x3FFD];
	_ =	sdelay $0x3  }
0x96: {  	_ =	strace s2  }
0x97: {  	_ =	strace $0x8FFFFFFF  }
0x98: {  	s18 =	sld [smem:$0x3FDB];
	_ =	sdelay $0x1  }
0x99: {  	s19 =	simm.s32 $_scs_section_size  }
0x9a: {  	s4 =	simm.s32 $_size__tile_overlayer_lowered;
	s5 =	simm.s32 $_tile_overlayer_lowered  }
0x9b: {  	s22 =	simm.s32 $0x1BFF;
	s21 =	sshll.u32 s5, $0x1;
	s2 =	sadd.s32 s19, s18  }
0x9c: {  	s6 =	simm.s32 $0x0;
	s20 =	sshll.u32 s4, $0x1;
	s4 =	sadd.s32 s21, s2  }
0x9d: {  	[timem:s6], [sflag:s22] =	dma.local [hbm:s4], s20  }
0x9e: {  	_ =	swait.ge [sflag:s22], s20  }
0x9f: {  	s3 =	ssub.s32 $0x0, s20;
	[sflag:s22] =	ssyncset.done $0x0  }
0xa0: {  	[sflag:s22] =	ssyncadd.s32 s3;
	_ =	sdelay $0x1  }
0xa1: {  	s23 =	simm.s32 $0x1B8B  }
0xa2: {  	_ =	swait.ge [sflag:s23], $0x1  }
0xa3: {  	[sflag:s23] =	ssyncset.done $0x0  }
0xa4: {  	s25 =	simm.s32 $0x1B8E;
	s24 =	sld [smem:$0x3FFE];
	[sflag:s23] =	ssyncadd.s32 $0xFFFFFFFF  }
0xa5: {  	s26 =	simm.s32 $execute0_lowered;
	[smem:$0x3FD2] =	sst s25  }
0xa6: {  	s4 =	sshll.u32 s26, $0x1;
	_ =	strace $0x80000049;
	[dreg:$0x1] =	wrdreg $0xFFFFFFFF  }
0xa7: {  	s28 =	simm.s32 $_size_execute0_lowered;
	s2 =	sadd.s32 s2, s4;
	[dreg:$0x0] =	wrdreg $0x0  }
0xa8: {  	s4 =	sshll.u32 s28, $0x1;
	[dreg:$0x2] =	wrdreg s2  }
0xa9: {  	[dreg:$0x3] =	wrdreg s4  }
0xaa: {  	[dreg:$0x4] =	wrdreg $0xC0  }
0xab: {  	_ =	task [dreg:s6], $0x5FFFF  }
0xac: {  	[dreg:$0x1] =	wrdreg $0xFFFFFFFF  }
0xad: {  	[dreg:$0x0] =	wrdreg $0x60  }
0xae: {  	[dreg:$0x2] =	wrdreg s24  }
0xaf: {  	[dreg:$0x3] =	wrdreg $0xA8000  }
0xb0: {  	[dreg:$0x4] =	wrdreg $0x9  }
0xb1: {  	_ =	task.clear_ibuf [dreg:s6], $0x5FFFF;
	_ =	strace $0x90000049  }
0xb2: {  	s29 =	simm.s32 $0x9;
	_ =	strace $0x8000004B  }
0xb3: {  	_ =	swait.ge [sflag:s29], $0x1  }
0xb4: {  	[sflag:s29] =	ssyncadd.s32 $0xFFFFFFFF  }
0xb5: {  	_ =	strace $0x9000004B  }
0xb6: {  	_ =	sfence  }
0xb7: {  	s30 =	sld [smem:$0x0];
	_ =	sdelay $0x2  }
0xb8: {  	s31 =	sshll.u32 s1, $0xD;
	s1 =	sshrl.u32 s1, $0x2  }
0xb9: {  	s3 =	sand.u32 $0x4000, s31;
	s1 =	sadd.s32 s1, s30  }
0xba: {  	s0 =	sor.u32 s3, s0;
	s1 =	sshll.u32 s1, $0x11  }
0xbb: {  	s0 =	sor.u32 s1, s0  }
0xbc: {  	s0 =	sadd.s32 $0x8F2B, s0  }
0xbd: {  	[sflag:s0] =	ssyncadd.remote.s32 $0x1  }
0xbe: {  	_ =	sfence.sel $0xFFFF  }
0xbf: {  	[dreg:$0x0] =	wrdreg $0xFFFFFFFF;
	(pc) =	sbr.abs _section_cstart, $3  }
0xc0: {  	[dreg:$0x1] =	wrdreg $0xFFFFFFFF  }
0xc1: {  	_ =	task.clear_ibuf [dreg:s6], $0x2FFFF;
	_ =	strace $0x9FFFFFFF  }
0xc2: {  	(tm) =	ssettm $0x7FFFFFFF  }
0xc3: {  	_ =	shalt  }
tec
execute0_lowered:
.L_overlay_start_1:
0x0: {  	(tag) =	ssettag $0x1  }
0x1: {  	s7 =	rddreg [dreg:$0x0]  }
0x2: {  	s2 =	rddreg [dreg:$0x1]  }
0x3: {  	s0 =	rddreg [dreg:$0x2];
	s3 =	simm.s32 $0x0;
	s1 =	stileid.u32  }
0x4: {  	s4 =	srdreg.scid;
	s16 =	simm.s32 $0x2800;
	s17 =	simm.s32 $0x6800  }
0x5: {  	s18 =	simm.s32 $0x1;
	s19 =	simm.s32 $0x2;
	s20 =	simm.s32 $0x3  }
0x6: {  	s21 =	simm.s32 $0x4;
	s22 =	simm.s32 $0x2700;
	s23 =	simm.s32 $0x2780  }
0x7: {  	[smem:$0x7FF] =	sst s3;
	s8 =	smul.u32 $0x2780, s1;
	s9 =	sand.u32 $0x1, s4  }
0x8: {  	s4 =	sadd.s32 $0x33E00, s7;
	s5 =	sadd.s32 $0x24E00, s7;
	s6 =	sadd.s32 $0x15E00, s7  }
0x9: {  	s13 =	sshll.u32 s1, $0x1;
	s14 =	smul.u32 $0x4F000, s1;
	s30 =	sshll.u32 s1, $0x6  }
0xa: {  	_ =	strace $0x8000004A;
	s10 =	smul.u32 $0x27800, s9;
	s26 =	ssub.s32 $0x2, s9  }
0xb: {  	s28 =	sor.u32 s9, s13;
	p0 =	seq.s32 s9, $0x1;
	s13 =	simm.s32 $0x5  }
0xc: {  	s11 =	sadd.s32 s8, s7;
	s12 =	sshrl.u32 s26, $0x1;
	s29 =	sshrl.u32 s14, $0x2  }
0xd: {  	s9 =	smul.u32 $0x3C00, s28;
	s14 =	simm.s32 $0x1400;
	s8 =	sadd.s32 s8, s10  }
0xe: {  	s12 =	ssub.s32 s26, s12;
	s31 =	sadd.s32 s29, s2;
	s15 =	sadd.s32 s8, s7  }
0xf: {  	s7 =	sadd.s32 $0x5B000, s11;
	s8 =	sor.u32 $0x1C05, s30;
	s11 =	smax.u32 s12, $0x1  }
0x10: {  	s12 =	sshrl.u32 s31, $0x3;
	s10 =	sadd.s32 $0x82800, s15;
	s15 =	simm.s32 $0x80  }
.LBB2_1:
0x11: {  	[spmem:s12], [sflag:s8] =	dma.local [hbm:s7], $0x2780  }
0x12: {  	_ =	swait.ge [sflag:s13], $0x2780  }
0x13: {  	[sflag:s13] =	ssyncset.done $0x0  }
0x14: {  	[sflag:s13] =	ssyncadd.s32 $0xFFFFD880  }
0x15: {  	s24 =	simm.s32 $0x0;
	[bflag:$0x0] =	sbarrier.arrive $0xFFFF  }
.LBB2_2:
0x16: {  	p1 =	seq.s32 s24, $0x0  }
0x17: {  	s25 =	simm.s32 @!p1 $0x3  }
0x18: {  	_ =	swait.ge @!p1 [sflag:s25], $0x4000  }
0x19: {  	s26 =	smul.u32 $0x1400, s24;
	[sflag:s25] =	ssyncset.done @!p1 $0x0  }
0x1a: {  	[sflag:s25] =	ssyncadd.s32 @!p1 $0xFFFFC000;
	s25 =	simm.s32 @!p1 $0x4  }
0x1b: {  	s26 =	sadd.s32 s9, s26;
	_ =	swait.ge @!p1 [sflag:s25], $0x4000  }
0x1c: {  	s26 =	sshrl.u32 s26, $0x3;
	[sflag:s25] =	ssyncset.done @!p1 $0x0  }
0x1d: {  	s28 =	simm.s32 $0x0;
	s31 =	sadd.s32 s5, s26;
	[sflag:s25] =	ssyncadd.s32 @!p1 $0xFFFFC000  }
0x1e: {  	[tilespmem:s28], [sflag:$0x5] =	stream.linear.gather [hbm4b:s31+s28], $0x1400, $0x38;
	[tilespmem:$0x1E400] =	vst v63  }
0x1f: {  	_ =	swait.ge [sflag:s13], $0x1400  }
0x20: {  	[sflag:s13] =	ssyncset.done $0x0  }
0x21: {  	s26 =	sadd.s32 s6, s26;
	[sflag:s13] =	ssyncadd.s32 $0xFFFFEC00  }
0x22: {  	[tilespmem:s14], [sflag:$0x5] =	stream.linear.gather [hbm4b:s26+s28], $0x1400, $0x38;
	[tilespmem:$0x1E400] =	vst v63  }
0x23: {  	_ =	swait.ge [sflag:s13], $0x1400  }
0x24: {  	[sflag:s13] =	ssyncset.done $0x0  }
0x25: {  	[sflag:s13] =	ssyncadd.s32 $0xFFFFEC00  }
0x26: {  	[tilespmem:s16], [sflag:$0x1] =	stream.indirect.gather [hbm4b:s4+s15], $0x80, s28, s15, $0xb8;
	[tilespmem:$0x1E400] =	vst v63  }
0x27: {  	_ = 	snop  }
0x28: {  	[tilespmem:s17], [sflag:$0x2] =	stream.indirect.gather [hbm4b:s4+s15], $0x80, s15, s15, $0xb8;
	[tilespmem:$0x1E400] =	vst v63  }
0x29: {  	_ =	swait.ge [sflag:s18], $0x4000  }
0x2a: {  	[sflag:s18] =	ssyncset.done $0x0  }
0x2b: {  	s29 =	simm.s32 $0x1400;
	[sflag:s18] =	ssyncadd.s32 $0xFFFFC000  }
0x2c: {  	[spmem:s2] =	stream.indirect.scatter.add.f32 [tilespmem:s16], [sflag:$0x3], $0x80, s29, s15, $0xb8;
	[tilespmem:$0x1E400] =	vst v63  }
0x2d: {  	_ =	swait.ge [sflag:s19], $0x4000  }
0x2e: {  	[sflag:s19] =	ssyncset.done $0x0  }
0x2f: {  	s30 =	simm.s32 $0x1480;
	[sflag:s19] =	ssyncadd.s32 $0xFFFFC000  }
0x30: {  	[spmem:s2] =	stream.indirect.scatter.add.f32 [tilespmem:s17], [sflag:$0x4], $0x80, s30, s15, $0xb8;
	[tilespmem:$0x1E400] =	vst v63  }
0x31: {  	_ =	swait.ge [sflag:s20], $0x4000  }
0x32: {  	[sflag:s20] =	ssyncset.done $0x0  }
0x33: {  	s31 =	simm.s32 $0x100;
	[sflag:s20] =	ssyncadd.s32 $0xFFFFC000  }
0x34: {  	[tilespmem:s16], [sflag:$0x1] =	stream.indirect.gather [hbm4b:s4+s15], $0x80, s31, s15, $0xb8;
	[tilespmem:$0x1E400] =	vst v63  }
0x35: {  	_ =	swait.ge [sflag:s21], $0x4000  }
0x36: {  	[sflag:s21] =	ssyncset.done $0x0  }
0x37: {  	s25 =	simm.s32 $0x400;
	s26 =	simm.s32 $0x180;
	[sflag:s21] =	ssyncadd.s32 $0xFFFFC000  }
.LBB2_3:
0x38: {  	[tilespmem:s17], [sflag:$0x2] =	stream.indirect.gather [hbm4b:s4+s15], $0x80, s26, s15, $0xb8;
	[tilespmem:$0x1E400] =	vst v63  }
0x39: {  	s26 =	smov.u32 s25  }
0x3a: {  	p1 =	sne.s32 s25, $0x4800;
	s25 =	sadd.s32 $0x400, s25;
	_ =	swait.ge [sflag:s18], $0x4000  }
0x3b: {  	s26 =	sshra.s32 s26, $0x2;
	[sflag:s18] =	ssyncset.done $0x0  }
0x3c: {  	s28 =	sadd.s32 $0x1400, s26;
	[sflag:s18] =	ssyncadd.s32 $0xFFFFC000  }
0x3d: {  	[spmem:s2] =	stream.indirect.scatter.add.f32 [tilespmem:s16], [sflag:$0x3], $0x80, s28, s15, $0xb8;
	[tilespmem:$0x1E400] =	vst v63  }
0x3e: {  	_ =	swait.ge [sflag:s19], $0x4000  }
0x3f: {  	[sflag:s19] =	ssyncset.done $0x0  }
0x40: {  	s28 =	sadd.s32 $0x1480, s26;
	[sflag:s19] =	ssyncadd.s32 $0xFFFFC000  }
0x41: {  	[spmem:s2] =	stream.indirect.scatter.add.f32 [tilespmem:s17], [sflag:$0x4], $0x80, s28, s15, $0xb8;
	[tilespmem:$0x1E400] =	vst v63  }
0x42: {  	_ =	swait.ge [sflag:s20], $0x4000  }
0x43: {  	[sflag:s20] =	ssyncset.done $0x0  }
.Ltmp0:
0x44: {  	s28 =	sadd.s32 $0x100, s26;
	[sflag:s20] =	ssyncadd.s32 $0xFFFFC000;
	(pc) =	sbr.rel @p1 .LBB2_3-.Ltmp0, $4  }
0x45: {  	[tilespmem:s16], [sflag:$0x1] =	stream.indirect.gather [hbm4b:s4+s15], $0x80, s28, s15, $0xb8;
	[tilespmem:$0x1E400] =	vst v63  }
0x46: {  	_ =	swait.ge [sflag:s21], $0x4000  }
0x47: {  	[sflag:s21] =	ssyncset.done $0x0  }
0x48: {  	s26 =	sadd.s32 $0x180, s26;
	[sflag:s21] =	ssyncadd.s32 $0xFFFFC000  }
0x49: {  	[tilespmem:s17], [sflag:$0x2] =	stream.indirect.gather [hbm4b:s4+s15], $0x80, s26, s15, $0xb8;
	[tilespmem:$0x1E400] =	vst v63  }
0x4a: {  	p1 =	slt.u32 s24, $0x2;
	_ =	swait.ge [sflag:s18], $0x4000  }
0x4b: {  	p1 =	por !p0, !p1;
	[sflag:s18] =	ssyncset.done $0x0  }
0x4c: {  	p1 =	por !p1, !p1;
	[sflag:s18] =	ssyncadd.s32 $0xFFFFC000  }
0x4d: {  	[spmem:s2] =	stream.indirect.scatter.add.f32 [tilespmem:s16], [sflag:$0x3], $0x80, s22, s15, $0xb8;
	[tilespmem:$0x1E400] =	vst v63  }
.Ltmp1:
0x4e: {  	_ = 	snop;
	(pc) =	sbr.rel @p1 .LBB2_2-.Ltmp1, $4  }
0x4f: {  	_ =	swait.ge [sflag:s19], $0x4000  }
0x50: {  	[sflag:s19] =	ssyncset.done $0x0  }
0x51: {  	s24 =	sadd.s32 $0x1, s24;
	[sflag:s19] =	ssyncadd.s32 $0xFFFFC000  }
0x52: {  	[spmem:s2] =	stream.indirect.scatter.add.f32 [tilespmem:s17], [sflag:$0x4], $0x80, s23, s15, $0xb8;
	[tilespmem:$0x1E400] =	vst v63  }
0x53: {  	_ =	swait.ge [sflag:s20], $0x4000  }
0x54: {  	[sflag:s20] =	ssyncset.done $0x0  }
0x55: {  	[sflag:s20] =	ssyncadd.s32 $0xFFFFC000  }
0x56: {  	_ =	swait.ge [sflag:s21], $0x4000  }
0x57: {  	s3 =	sadd.s32 $0x1, s3;
	[sflag:s21] =	ssyncset.done $0x0  }
0x58: {  	p1 =	sne.s32 s3, s11;
	[sflag:s21] =	ssyncadd.s32 $0xFFFFC000  }
.Ltmp2:
0x59: {  	[bflag:$0x0] =	sbarrier.arrive $0xFFFF;
	(pc) =	sbr.rel @p1 .LBB2_1-.Ltmp2, $4  }
0x5a: {  	[hbm:s10], [sflag:s8] =	dma.local [spmem:s12], $0x2780  }
0x5b: {  	_ =	swait.ge [sflag:s13], $0x2780  }
0x5c: {  	[sflag:s13] =	ssyncset.done $0x0  }
0x5d: {  	[sflag:s13] =	ssyncadd.s32 $0xFFFFD880  }
0x5e: {  	_ =	sfence.sel $0x180000  }
0x5f: {  	[bflag:$0x0] =	sbarrier.arrive $0xFFFF  }
0x60: {  	p0 =	sne.s32 s1, $0x0;
	_ =	strace $0x9000004A  }
0x61: {  	s0 =	sadd.s32 @!p0 $0x100000, s0;
	[bflag:$0x2] =	sbarrier.arrive $0xFFFF  }
0x62: {  	[sflag:s0] =	ssyncadd.tile.s32 @!p0 $0x1;
	_ =	shalt  }
.Lfunc_end2:
_tile_overlayer_lowered:
.L_overlay_start_2:
0x63: {  	(tag) =	ssettag $0x2  }
0x64: {  	s0 =	rddreg [dreg:$0x0];
	s2 =	stileid.u32  }
0x65: {  	s1 =	rddreg [dreg:$0x1];
	p0 =	sne.s32 s2, $0x0  }
0x66: {  	s3 =	rddreg [dreg:$0x2];
	[bflag:$0x3] =	sbarrier.arrive $0xFFFF;
	s2 =	simm.s32 @!p0 $0x1C05  }
0x67: {  	[timem:s3], [sflag:s2] =	dma.local @!p0 [hbm:s0], s1  }
0x68: {  	s0 =	simm.s32 @!p0 $0x5  }
0x69: {  	_ =	swait.ge @!p0 [sflag:s0], s1  }
0x6a: {  	s1 =	ssub.s32 @!p0 $0x0, s1;
	[sflag:s0] =	ssyncset.done @!p0 $0x0  }
0x6b: {  	[sflag:s0] =	ssyncadd.s32 @!p0 s1  }
0x6c: {  	[bflag:$0x3] =	sbarrier.arrive $0xFFFF  }
0x6d: {  	_ =	shalt  }

// kernel: kernel.14.cloned.1.call-start
scs
__scs_entry_jumppad:
0x0: {  	(pc) =	sbr.rel $0x88, $3  }
0x1: {  	(tag) =	ssettag $0x0;
	lr =	simm.s32 $0x1  }
0x2: {  	[smem:$0x3F98] =	sst lr;
	_ =	strace $0xD0000000  }
0x3: {  	_ = 	snop  }
0x4: {  	_ = 	snop  }
0x5: {  	_ = 	snop  }
0x6: {  	_ = 	snop  }
0x7: {  	_ = 	snop  }
__scs_overlays_trampoline_lowered:
0x8: {  	[smem:$0x3FA7] =	sst s0  }
0x9: {  	[smem:$0x3FA8] =	sst s1  }
0xa: {  	[smem:$0x3FA9] =	sst s2  }
0xb: {  	[smem:$0x3FAA] =	sst s3  }
0xc: {  	[smem:$0x3FAB] =	sst s4  }
0xd: {  	[smem:$0x3FAC] =	sst s5  }
0xe: {  	[smem:$0x3FAD] =	sst s6  }
0xf: {  	[smem:$0x3FAE] =	sst s7  }
0x10: {  	[smem:$0x3FAF] =	sst s8  }
0x11: {  	[smem:$0x3FB0] =	sst s9;
	s0 =	simm.s32 @!p0 $0x0  }
0x12: {  	s1 =	sld [smem:$0x3F96];
	s0 =	simm.s32 @p0 $0x1  }
0x13: {  	[smem:$0x3FB1] =	sst s0;
	s0 =	simm.s32 @!p1 $0x0  }
0x14: {  	s2 =	sld [smem:$0x3F95];
	s0 =	simm.s32 @p1 $0x1  }
0x15: {  	[smem:$0x3FB2] =	sst s0;
	s0 =	simm.s32 @!p2 $0x0  }
0x16: {  	s3 =	sld [smem:$0x3FDB];
	s0 =	simm.s32 @p2 $0x1  }
0x17: {  	s4 =	simm.s32 $0x1BF5;
	[smem:$0x3FB4] =	sst s0  }
0x18: {  	s0 =	sld [smem:$0x3F97];
	_ =	swait.ge [sflag:s4], $0x0  }
0x19: {  	s7 =	sld [smem:$0x3F98]  }
0x1a: {  	s8 =	sadd.s32 $0xFFFFE003, lr  }
0x1b: {  	s9 =	sadd.s32 $0xFFFFFEF7, lr;
	s5 =	simm.s32 $0xFFFFFFFF;
	p2 =	slt.u32 s8, $0xFFFFF086  }
0x1c: {  	p1 =	slt.u32 s9, $0xF7A;
	s5 =	simm.s32 @!p2 $0x0  }
0x1d: {  	s5 =	simm.s32 @p1 $0x1;
	p0 =	seq.s32 s7, s2  }
0x1e: {  	s7 =	smul.u32 @!p0 $0xF7A, s2;
	p2 =	seq.s32 @!p0 s5, $0x0  }
0x1f: {  	s9 =	smul.u32 $0xF7A, s1;
	s8 =	simm.s32 @!p0 $0x1BF5;
	p2 =	por !p2, p0  }
0x20: {  	[sflag:s8] =	ssyncset.s32 @!p0 $0xFFFFF086;
	s6 =	sadd.s32 @!p0 s3, s7;
	s7 =	simm.s32 @!p0 $0x108  }
0x21: {  	s3 =	sadd.s32 s3, s9;
	s6 =	sadd.s32 @!p0 $0x88, s6;
	s7 =	simm.s32 @p2 $0x1082  }
0x22: {  	[simem:s7], [sflag:s8] =	dma.local @!p0 [hbm:s6], $0xF7A  }
0x23: {  	s9 =	sor.u32 $0xD0000000, s2;
	s6 =	simm.s32 $0x108;
	_ =	swait.ge @!p0 [sflag:s8], $0x0  }
0x24: {  	s3 =	sadd.s32 $0x88, s3;
	s6 =	simm.s32 @!p1 $0x1082;
	[sflag:s4] =	ssyncset.s32 $0xFFFFF086  }
0x25: {  	[simem:s6], [sflag:s4] =	dma.local [hbm:s3], $0xF7A  }
0x26: {  	[smem:$0x3F98] =	sst s1;
	(tag) =	ssettag s2;
	_ =	strace s9  }
0x27: {  	s1 =	sld [smem:$0x3FA8]  }
0x28: {  	s2 =	sld [smem:$0x3FA9]  }
0x29: {  	s4 =	sld [smem:$0x3FAB]  }
0x2a: {  	p0 =	seq.s32 s5, $0x0;
	s5 =	sld [smem:$0x3FAC]  }
0x2b: {  	s6 =	sld [smem:$0x3FAD]  }
0x2c: {  	s7 =	sld [smem:$0x3FAE]  }
0x2d: {  	s3 =	simm.s32 $0x108;
	s8 =	sld [smem:$0x3FAF]  }
0x2e: {  	s3 =	simm.s32 @!p0 $0x1082;
	s9 =	sld [smem:$0x3FB0]  }
0x2f: {  	lr =	sadd.s32 s0, s3;
	s0 =	sld [smem:$0x3FA7]  }
0x30: {  	s3 =	sld [smem:$0x3FAA]  }
0x31: {  	[smem:$0x3FB3] =	sst s10  }
0x32: {  	s10 =	sld [smem:$0x3FB1];
	_ =	sdelay $0x3  }
0x33: {  	p0 =	seq.s32 s10, $0x1;
	s10 =	sld [smem:$0x3FB3];
	_ =	sdelay $0x3  }
0x34: {  	[smem:$0x3FB3] =	sst s10  }
0x35: {  	s10 =	sld [smem:$0x3FB2];
	_ =	sdelay $0x3  }
0x36: {  	p1 =	seq.s32 s10, $0x1;
	s10 =	sld [smem:$0x3FB3];
	_ =	sdelay $0x3  }
0x37: {  	[smem:$0x3FB3] =	sst s10  }
0x38: {  	s10 =	sld [smem:$0x3FB4]  }
0x39: {  	_ = 	snop;
	(pc) =	sbr.ind lr, $3  }
0x3a: {  	_ = 	snop  }
0x3b: {  	_ = 	snop  }
0x3c: {  	p2 =	seq.s32 s10, $0x1;
	s10 =	sld [smem:$0x3FB3]  }
0x3d: {  	_ =	shalt  }
0x3e: {  	_ =	shalt  }
0x3f: {  	_ =	shalt  }
0x40: {  	_ =	shalt  }
0x41: {  	_ =	shalt  }
0x42: {  	_ =	shalt  }
0x43: {  	_ =	shalt  }
0x44: {  	_ =	shalt  }
0x45: {  	_ =	shalt  }
0x46: {  	_ =	shalt  }
0x47: {  	_ =	shalt  }
0x48: {  	_ =	shalt  }
0x49: {  	_ =	shalt  }
0x4a: {  	_ =	shalt  }
0x4b: {  	_ =	shalt  }
0x4c: {  	_ =	shalt  }
0x4d: {  	_ =	shalt  }
0x4e: {  	_ =	shalt  }
0x4f: {  	_ =	shalt  }
0x50: {  	_ =	shalt  }
0x51: {  	_ =	shalt  }
0x52: {  	_ =	shalt  }
0x53: {  	_ =	shalt  }
0x54: {  	_ =	shalt  }
0x55: {  	_ =	shalt  }
0x56: {  	_ =	shalt  }
0x57: {  	_ =	shalt  }
0x58: {  	_ =	shalt  }
0x59: {  	_ =	shalt  }
0x5a: {  	_ =	shalt  }
0x5b: {  	_ =	shalt  }
0x5c: {  	_ =	shalt  }
0x5d: {  	_ =	shalt  }
0x5e: {  	_ =	shalt  }
0x5f: {  	_ =	shalt  }
0x60: {  	_ =	shalt  }
0x61: {  	_ =	shalt  }
0x62: {  	_ =	shalt  }
0x63: {  	_ =	shalt  }
0x64: {  	_ =	shalt  }
0x65: {  	_ =	shalt  }
0x66: {  	_ =	shalt  }
0x67: {  	_ =	shalt  }
0x68: {  	_ =	shalt  }
0x69: {  	_ =	shalt  }
0x6a: {  	_ =	shalt  }
0x6b: {  	_ =	shalt  }
0x6c: {  	_ =	shalt  }
0x6d: {  	_ =	shalt  }
0x6e: {  	_ =	shalt  }
0x6f: {  	_ =	shalt  }
0x70: {  	_ =	shalt  }
0x71: {  	_ =	shalt  }
0x72: {  	_ =	shalt  }
0x73: {  	_ =	shalt  }
0x74: {  	_ =	shalt  }
0x75: {  	_ =	shalt  }
0x76: {  	_ =	shalt  }
0x77: {  	_ =	shalt  }
0x78: {  	_ =	shalt  }
0x79: {  	_ =	shalt  }
0x7a: {  	_ =	shalt  }
0x7b: {  	_ =	shalt  }
0x7c: {  	_ =	shalt  }
0x7d: {  	_ =	shalt  }
0x7e: {  	_ =	shalt  }
0x7f: {  	_ =	shalt  }
0x80: {  	_ =	shalt  }
0x81: {  	_ =	shalt  }
0x82: {  	_ =	shalt  }
0x83: {  	_ =	shalt  }
0x84: {  	_ =	shalt  }
0x85: {  	_ =	shalt  }
0x86: {  	_ =	shalt  }
0x87: {  	_ =	shalt  }
.Lfunc_end0:
.L_simem_size_0:
called_computation.2_lowered:
.L_overlay_start_0:
0x88: {  	s2 =	sld [smem:$0x3FD9]  }
0x89: {  	s3 =	sld [smem:$0x3FFE];
	_ =	sdelay $0x1  }
0x8a: {  	s1 =	srdreg.scid  }
0x8b: {  	s0 =	sand.u32 $0x1, s1  }
0x8c: {  	s16 =	sshll.u32 s0, $0xA;
	s2 =	sadd.s32 s3, s2  }
0x8d: {  	s2 =	sadd.s32 s2, s16  }
0x8e: {  	[smem:$0x3FBF] =	sst s2  }
0x8f: {  	_ = 	snop  }
0x90: {  	(tm) =	ssettm $0x1  }
0x91: {  	s17 =	sld [smem:$0x3FFB];
	_ =	sdelay $0x3  }
0x92: {  	_ =	strace s17  }
0x93: {  	s2 =	sld [smem:$0x3FFC];
	_ =	sdelay $0x3  }
0x94: {  	_ =	strace s2  }
0x95: {  	s2 =	sld [smem:$0x3FFD];
	_ =	sdelay $0x3  }
0x96: {  	_ =	strace s2  }
0x97: {  	_ =	strace $0x8FFFFFFF  }
0x98: {  	s18 =	sld [smem:$0x3FDB];
	_ =	sdelay $0x1  }
0x99: {  	s19 =	simm.s32 $_scs_section_size  }
0x9a: {  	s4 =	simm.s32 $_size__tile_overlayer_lowered;
	s5 =	simm.s32 $_tile_overlayer_lowered  }
0x9b: {  	s22 =	simm.s32 $0x1BFF;
	s21 =	sshll.u32 s5, $0x1;
	s2 =	sadd.s32 s19, s18  }
0x9c: {  	s6 =	simm.s32 $0x0;
	s20 =	sshll.u32 s4, $0x1;
	s4 =	sadd.s32 s21, s2  }
0x9d: {  	[timem:s6], [sflag:s22] =	dma.local [hbm:s4], s20  }
0x9e: {  	_ =	swait.ge [sflag:s22], s20  }
0x9f: {  	s3 =	ssub.s32 $0x0, s20;
	[sflag:s22] =	ssyncset.done $0x0  }
0xa0: {  	[sflag:s22] =	ssyncadd.s32 s3;
	_ =	sdelay $0x1  }
0xa1: {  	s23 =	simm.s32 $0x1B8B  }
0xa2: {  	_ =	swait.ge [sflag:s23], $0x1  }
0xa3: {  	[sflag:s23] =	ssyncset.done $0x0  }
0xa4: {  	s25 =	simm.s32 $0x1B8E;
	s24 =	sld [smem:$0x3FFE];
	[sflag:s23] =	ssyncadd.s32 $0xFFFFFFFF  }
0xa5: {  	s26 =	simm.s32 $execute0_lowered;
	[smem:$0x3FD2] =	sst s25  }
0xa6: {  	s4 =	sshll.u32 s26, $0x1;
	_ =	strace $0x8000004C;
	[dreg:$0x1] =	wrdreg $0xFFFFFFFF  }
0xa7: {  	s28 =	simm.s32 $_size_execute0_lowered;
	s2 =	sadd.s32 s2, s4;
	[dreg:$0x0] =	wrdreg $0x0  }
0xa8: {  	s4 =	sshll.u32 s28, $0x1;
	[dreg:$0x2] =	wrdreg s2  }
0xa9: {  	[dreg:$0x3] =	wrdreg s4  }
0xaa: {  	[dreg:$0x4] =	wrdreg $0xC0  }
0xab: {  	_ =	task [dreg:s6], $0x5FFFF  }
0xac: {  	[dreg:$0x1] =	wrdreg $0xFFFFFFFF  }
0xad: {  	[dreg:$0x0] =	wrdreg $0x60  }
0xae: {  	[dreg:$0x2] =	wrdreg s24  }
0xaf: {  	[dreg:$0x3] =	wrdreg $0xA8000  }
0xb0: {  	[dreg:$0x4] =	wrdreg $0x9  }
0xb1: {  	_ =	task.clear_ibuf [dreg:s6], $0x5FFFF;
	_ =	strace $0x9000004C  }
0xb2: {  	s29 =	simm.s32 $0x9;
	_ =	strace $0x8000004E  }
0xb3: {  	_ =	swait.ge [sflag:s29], $0x1  }
0xb4: {  	[sflag:s29] =	ssyncadd.s32 $0xFFFFFFFF  }
0xb5: {  	_ =	strace $0x9000004E  }
0xb6: {  	_ =	sfence  }
0xb7: {  	s30 =	sld [smem:$0x0];
	_ =	sdelay $0x2  }
0xb8: {  	s31 =	sshll.u32 s1, $0xD;
	s1 =	sshrl.u32 s1, $0x2  }
0xb9: {  	s3 =	sand.u32 $0x4000, s31;
	s1 =	sadd.s32 s1, s30  }
0xba: {  	s0 =	sor.u32 s3, s0;
	s1 =	sshll.u32 s1, $0x11  }
0xbb: {  	s0 =	sor.u32 s1, s0  }
0xbc: {  	s0 =	sadd.s32 $0x8F2B, s0  }
0xbd: {  	[sflag:s0] =	ssyncadd.remote.s32 $0x1  }
0xbe: {  	_ =	sfence.sel $0xFFFF  }
0xbf: {  	[dreg:$0x0] =	wrdreg $0xFFFFFFFF;
	(pc) =	sbr.abs _section_cstart, $3  }
0xc0: {  	[dreg:$0x1] =	wrdreg $0xFFFFFFFF  }
0xc1: {  	_ =	task.clear_ibuf [dreg:s6], $0x2FFFF;
	_ =	strace $0x9FFFFFFF  }
0xc2: {  	(tm) =	ssettm $0x7FFFFFFF  }
0xc3: {  	_ =	shalt  }
tec
execute0_lowered:
.L_overlay_start_1:
0x0: {  	(tag) =	ssettag $0x1  }
0x1: {  	s7 =	rddreg [dreg:$0x0]  }
0x2: {  	s2 =	rddreg [dreg:$0x1]  }
0x3: {  	s0 =	rddreg [dreg:$0x2];
	s3 =	simm.s32 $0x0;
	s1 =	stileid.u32  }
0x4: {  	s4 =	srdreg.scid;
	s16 =	simm.s32 $0x2800;
	s17 =	simm.s32 $0x6800  }
0x5: {  	s18 =	simm.s32 $0x1;
	s19 =	simm.s32 $0x2;
	s20 =	simm.s32 $0x3  }
0x6: {  	s21 =	simm.s32 $0x4;
	s22 =	simm.s32 $0x2700;
	s23 =	simm.s32 $0x2780  }
0x7: {  	[smem:$0x7FF] =	sst s3;
	s8 =	smul.u32 $0x2780, s1;
	s9 =	sand.u32 $0x1, s4  }
0x8: {  	s4 =	sadd.s32 $0x33E00, s7;
	s5 =	sadd.s32 $0x24E00, s7;
	s6 =	sadd.s32 $0x15E00, s7  }
0x9: {  	s13 =	sshll.u32 s1, $0x1;
	s14 =	smul.u32 $0x4F000, s1;
	s30 =	sshll.u32 s1, $0x6  }
0xa: {  	_ =	strace $0x8000004D;
	s10 =	smul.u32 $0x27800, s9;
	s26 =	ssub.s32 $0x2, s9  }
0xb: {  	s28 =	sor.u32 s9, s13;
	p0 =	seq.s32 s9, $0x1;
	s13 =	simm.s32 $0x5  }
0xc: {  	s11 =	sadd.s32 s8, s7;
	s12 =	sshrl.u32 s26, $0x1;
	s29 =	sshrl.u32 s14, $0x2  }
0xd: {  	s9 =	smul.u32 $0x3C00, s28;
	s14 =	simm.s32 $0x1400;
	s8 =	sadd.s32 s8, s10  }
0xe: {  	s12 =	ssub.s32 s26, s12;
	s31 =	sadd.s32 s29, s2;
	s15 =	sadd.s32 s8, s7  }
0xf: {  	s7 =	sadd.s32 $0x5B000, s11;
	s8 =	sor.u32 $0x1C05, s30;
	s11 =	smax.u32 s12, $0x1  }
0x10: {  	s12 =	sshrl.u32 s31, $0x3;
	s10 =	sadd.s32 $0x82800, s15;
	s15 =	simm.s32 $0x80  }
.LBB2_1:
0x11: {  	[spmem:s12], [sflag:s8] =	dma.local [hbm:s7], $0x2780  }
0x12: {  	_ =	swait.ge [sflag:s13], $0x2780  }
0x13: {  	[sflag:s13] =	ssyncset.done $0x0  }
0x14: {  	[sflag:s13] =	ssyncadd.s32 $0xFFFFD880  }
0x15: {  	s24 =	simm.s32 $0x0;
	[bflag:$0x0] =	sbarrier.arrive $0xFFFF  }
.LBB2_2:
0x16: {  	p1 =	seq.s32 s24, $0x0  }
0x17: {  	s25 =	simm.s32 @!p1 $0x3  }
0x18: {  	_ =	swait.ge @!p1 [sflag:s25], $0x4000  }
0x19: {  	s26 =	smul.u32 $0x1400, s24;
	[sflag:s25] =	ssyncset.done @!p1 $0x0  }
0x1a: {  	[sflag:s25] =	ssyncadd.s32 @!p1 $0xFFFFC000;
	s25 =	simm.s32 @!p1 $0x4  }
0x1b: {  	s26 =	sadd.s32 s9, s26;
	_ =	swait.ge @!p1 [sflag:s25], $0x4000  }
0x1c: {  	s26 =	sshrl.u32 s26, $0x3;
	[sflag:s25] =	ssyncset.done @!p1 $0x0  }
0x1d: {  	s28 =	simm.s32 $0x0;
	s31 =	sadd.s32 s5, s26;
	[sflag:s25] =	ssyncadd.s32 @!p1 $0xFFFFC000  }
0x1e: {  	[tilespmem:s28], [sflag:$0x5] =	stream.linear.gather [hbm4b:s31+s28], $0x1400, $0x38;
	[tilespmem:$0x1E400] =	vst v63  }
0x1f: {  	_ =	swait.ge [sflag:s13], $0x1400  }
0x20: {  	[sflag:s13] =	ssyncset.done $0x0  }
0x21: {  	s26 =	sadd.s32 s6, s26;
	[sflag:s13] =	ssyncadd.s32 $0xFFFFEC00  }
0x22: {  	[tilespmem:s14], [sflag:$0x5] =	stream.linear.gather [hbm4b:s26+s28], $0x1400, $0x38;
	[tilespmem:$0x1E400] =	vst v63  }
0x23: {  	_ =	swait.ge [sflag:s13], $0x1400  }
0x24: {  	[sflag:s13] =	ssyncset.done $0x0  }
0x25: {  	[sflag:s13] =	ssyncadd.s32 $0xFFFFEC00  }
0x26: {  	[tilespmem:s16], [sflag:$0x1] =	stream.indirect.gather [hbm4b:s4+s15], $0x80, s28, s15, $0xb8;
	[tilespmem:$0x1E400] =	vst v63  }
0x27: {  	_ = 	snop  }
0x28: {  	[tilespmem:s17], [sflag:$0x2] =	stream.indirect.gather [hbm4b:s4+s15], $0x80, s15, s15, $0xb8;
	[tilespmem:$0x1E400] =	vst v63  }
0x29: {  	_ =	swait.ge [sflag:s18], $0x4000  }
0x2a: {  	[sflag:s18] =	ssyncset.done $0x0  }
0x2b: {  	s29 =	simm.s32 $0x1400;
	[sflag:s18] =	ssyncadd.s32 $0xFFFFC000  }
0x2c: {  	[spmem:s2] =	stream.indirect.scatter.add.f32 [tilespmem:s16], [sflag:$0x3], $0x80, s29, s15, $0xb8;
	[tilespmem:$0x1E400] =	vst v63  }
0x2d: {  	_ =	swait.ge [sflag:s19], $0x4000  }
0x2e: {  	[sflag:s19] =	ssyncset.done $0x0  }
0x2f: {  	s30 =	simm.s32 $0x1480;
	[sflag:s19] =	ssyncadd.s32 $0xFFFFC000  }
0x30: {  	[spmem:s2] =	stream.indirect.scatter.add.f32 [tilespmem:s17], [sflag:$0x4], $0x80, s30, s15, $0xb8;
	[tilespmem:$0x1E400] =	vst v63  }
0x31: {  	_ =	swait.ge [sflag:s20], $0x4000  }
0x32: {  	[sflag:s20] =	ssyncset.done $0x0  }
0x33: {  	s31 =	simm.s32 $0x100;
	[sflag:s20] =	ssyncadd.s32 $0xFFFFC000  }
0x34: {  	[tilespmem:s16], [sflag:$0x1] =	stream.indirect.gather [hbm4b:s4+s15], $0x80, s31, s15, $0xb8;
	[tilespmem:$0x1E400] =	vst v63  }
0x35: {  	_ =	swait.ge [sflag:s21], $0x4000  }
0x36: {  	[sflag:s21] =	ssyncset.done $0x0  }
0x37: {  	s25 =	simm.s32 $0x400;
	s26 =	simm.s32 $0x180;
	[sflag:s21] =	ssyncadd.s32 $0xFFFFC000  }
.LBB2_3:
0x38: {  	[tilespmem:s17], [sflag:$0x2] =	stream.indirect.gather [hbm4b:s4+s15], $0x80, s26, s15, $0xb8;
	[tilespmem:$0x1E400] =	vst v63  }
0x39: {  	s26 =	smov.u32 s25  }
0x3a: {  	p1 =	sne.s32 s25, $0x4800;
	s25 =	sadd.s32 $0x400, s25;
	_ =	swait.ge [sflag:s18], $0x4000  }
0x3b: {  	s26 =	sshra.s32 s26, $0x2;
	[sflag:s18] =	ssyncset.done $0x0  }
0x3c: {  	s28 =	sadd.s32 $0x1400, s26;
	[sflag:s18] =	ssyncadd.s32 $0xFFFFC000  }
0x3d: {  	[spmem:s2] =	stream.indirect.scatter.add.f32 [tilespmem:s16], [sflag:$0x3], $0x80, s28, s15, $0xb8;
	[tilespmem:$0x1E400] =	vst v63  }
0x3e: {  	_ =	swait.ge [sflag:s19], $0x4000  }
0x3f: {  	[sflag:s19] =	ssyncset.done $0x0  }
0x40: {  	s28 =	sadd.s32 $0x1480, s26;
	[sflag:s19] =	ssyncadd.s32 $0xFFFFC000  }
0x41: {  	[spmem:s2] =	stream.indirect.scatter.add.f32 [tilespmem:s17], [sflag:$0x4], $0x80, s28, s15, $0xb8;
	[tilespmem:$0x1E400] =	vst v63  }
0x42: {  	_ =	swait.ge [sflag:s20], $0x4000  }
0x43: {  	[sflag:s20] =	ssyncset.done $0x0  }
.Ltmp0:
0x44: {  	s28 =	sadd.s32 $0x100, s26;
	[sflag:s20] =	ssyncadd.s32 $0xFFFFC000;
	(pc) =	sbr.rel @p1 .LBB2_3-.Ltmp0, $4  }
0x45: {  	[tilespmem:s16], [sflag:$0x1] =	stream.indirect.gather [hbm4b:s4+s15], $0x80, s28, s15, $0xb8;
	[tilespmem:$0x1E400] =	vst v63  }
0x46: {  	_ =	swait.ge [sflag:s21], $0x4000  }
0x47: {  	[sflag:s21] =	ssyncset.done $0x0  }
0x48: {  	s26 =	sadd.s32 $0x180, s26;
	[sflag:s21] =	ssyncadd.s32 $0xFFFFC000  }
0x49: {  	[tilespmem:s17], [sflag:$0x2] =	stream.indirect.gather [hbm4b:s4+s15], $0x80, s26, s15, $0xb8;
	[tilespmem:$0x1E400] =	vst v63  }
0x4a: {  	p1 =	slt.u32 s24, $0x2;
	_ =	swait.ge [sflag:s18], $0x4000  }
0x4b: {  	p1 =	por !p0, !p1;
	[sflag:s18] =	ssyncset.done $0x0  }
0x4c: {  	p1 =	por !p1, !p1;
	[sflag:s18] =	ssyncadd.s32 $0xFFFFC000  }
0x4d: {  	[spmem:s2] =	stream.indirect.scatter.add.f32 [tilespmem:s16], [sflag:$0x3], $0x80, s22, s15, $0xb8;
	[tilespmem:$0x1E400] =	vst v63  }
.Ltmp1:
0x4e: {  	_ = 	snop;
	(pc) =	sbr.rel @p1 .LBB2_2-.Ltmp1, $4  }
0x4f: {  	_ =	swait.ge [sflag:s19], $0x4000  }
0x50: {  	[sflag:s19] =	ssyncset.done $0x0  }
0x51: {  	s24 =	sadd.s32 $0x1, s24;
	[sflag:s19] =	ssyncadd.s32 $0xFFFFC000  }
0x52: {  	[spmem:s2] =	stream.indirect.scatter.add.f32 [tilespmem:s17], [sflag:$0x4], $0x80, s23, s15, $0xb8;
	[tilespmem:$0x1E400] =	vst v63  }
0x53: {  	_ =	swait.ge [sflag:s20], $0x4000  }
0x54: {  	[sflag:s20] =	ssyncset.done $0x0  }
0x55: {  	[sflag:s20] =	ssyncadd.s32 $0xFFFFC000  }
0x56: {  	_ =	swait.ge [sflag:s21], $0x4000  }
0x57: {  	s3 =	sadd.s32 $0x1, s3;
	[sflag:s21] =	ssyncset.done $0x0  }
0x58: {  	p1 =	sne.s32 s3, s11;
	[sflag:s21] =	ssyncadd.s32 $0xFFFFC000  }
.Ltmp2:
0x59: {  	[bflag:$0x0] =	sbarrier.arrive $0xFFFF;
	(pc) =	sbr.rel @p1 .LBB2_1-.Ltmp2, $4  }
0x5a: {  	[hbm:s10], [sflag:s8] =	dma.local [spmem:s12], $0x2780  }
0x5b: {  	_ =	swait.ge [sflag:s13], $0x2780  }
0x5c: {  	[sflag:s13] =	ssyncset.done $0x0  }
0x5d: {  	[sflag:s13] =	ssyncadd.s32 $0xFFFFD880  }
0x5e: {  	_ =	sfence.sel $0x180000  }
0x5f: {  	[bflag:$0x0] =	sbarrier.arrive $0xFFFF  }
0x60: {  	p0 =	sne.s32 s1, $0x0;
	_ =	strace $0x9000004D  }
0x61: {  	s0 =	sadd.s32 @!p0 $0x100000, s0;
	[bflag:$0x2] =	sbarrier.arrive $0xFFFF  }
0x62: {  	[sflag:s0] =	ssyncadd.tile.s32 @!p0 $0x1;
	_ =	shalt  }
.Lfunc_end2:
_tile_overlayer_lowered:
.L_overlay_start_2:
0x63: {  	(tag) =	ssettag $0x2  }
0x64: {  	s0 =	rddreg [dreg:$0x0];
	s2 =	stileid.u32  }
0x65: {  	s1 =	rddreg [dreg:$0x1];
	p0 =	sne.s32 s2, $0x0  }
0x66: {  	s3 =	rddreg [dreg:$0x2];
	[bflag:$0x3] =	sbarrier.arrive $0xFFFF;
	s2 =	simm.s32 @!p0 $0x1C05  }
0x67: {  	[timem:s3], [sflag:s2] =	dma.local @!p0 [hbm:s0], s1  }
0x68: {  	s0 =	simm.s32 @!p0 $0x5  }
0x69: {  	_ =	swait.ge @!p0 [sflag:s0], s1  }
0x6a: {  	s1 =	ssub.s32 @!p0 $0x0, s1;
	[sflag:s0] =	ssyncset.done @!p0 $0x0  }
0x6b: {  	[sflag:s0] =	ssyncadd.s32 @!p0 s1  }
0x6c: {  	[bflag:$0x3] =	sbarrier.arrive $0xFFFF  }
0x6d: {  	_ =	shalt  }

// kernel: kernel.8.cloned.1.call-start
scs
__scs_entry_jumppad:
0x0: {  	(pc) =	sbr.rel $0x88, $3  }
0x1: {  	(tag) =	ssettag $0x0;
	lr =	simm.s32 $0x1  }
0x2: {  	[smem:$0x3F98] =	sst lr;
	_ =	strace $0xD0000000  }
0x3: {  	_ = 	snop  }
0x4: {  	_ = 	snop  }
0x5: {  	_ = 	snop  }
0x6: {  	_ = 	snop  }
0x7: {  	_ = 	snop  }
__scs_overlays_trampoline_lowered:
0x8: {  	[smem:$0x3FA7] =	sst s0  }
0x9: {  	[smem:$0x3FA8] =	sst s1  }
0xa: {  	[smem:$0x3FA9] =	sst s2  }
0xb: {  	[smem:$0x3FAA] =	sst s3  }
0xc: {  	[smem:$0x3FAB] =	sst s4  }
0xd: {  	[smem:$0x3FAC] =	sst s5  }
0xe: {  	[smem:$0x3FAD] =	sst s6  }
0xf: {  	[smem:$0x3FAE] =	sst s7  }
0x10: {  	[smem:$0x3FAF] =	sst s8  }
0x11: {  	[smem:$0x3FB0] =	sst s9;
	s0 =	simm.s32 @!p0 $0x0  }
0x12: {  	s1 =	sld [smem:$0x3F96];
	s0 =	simm.s32 @p0 $0x1  }
0x13: {  	[smem:$0x3FB1] =	sst s0;
	s0 =	simm.s32 @!p1 $0x0  }
0x14: {  	s2 =	sld [smem:$0x3F95];
	s0 =	simm.s32 @p1 $0x1  }
0x15: {  	[smem:$0x3FB2] =	sst s0;
	s0 =	simm.s32 @!p2 $0x0  }
0x16: {  	s3 =	sld [smem:$0x3FDB];
	s0 =	simm.s32 @p2 $0x1  }
0x17: {  	s4 =	simm.s32 $0x1BF5;
	[smem:$0x3FB4] =	sst s0  }
0x18: {  	s0 =	sld [smem:$0x3F97];
	_ =	swait.ge [sflag:s4], $0x0  }
0x19: {  	s7 =	sld [smem:$0x3F98]  }
0x1a: {  	s8 =	sadd.s32 $0xFFFFE003, lr  }
0x1b: {  	s9 =	sadd.s32 $0xFFFFFEF7, lr;
	s5 =	simm.s32 $0xFFFFFFFF;
	p2 =	slt.u32 s8, $0xFFFFF086  }
0x1c: {  	p1 =	slt.u32 s9, $0xF7A;
	s5 =	simm.s32 @!p2 $0x0  }
0x1d: {  	s5 =	simm.s32 @p1 $0x1;
	p0 =	seq.s32 s7, s2  }
0x1e: {  	s7 =	smul.u32 @!p0 $0xF7A, s2;
	p2 =	seq.s32 @!p0 s5, $0x0  }
0x1f: {  	s9 =	smul.u32 $0xF7A, s1;
	s8 =	simm.s32 @!p0 $0x1BF5;
	p2 =	por !p2, p0  }
0x20: {  	[sflag:s8] =	ssyncset.s32 @!p0 $0xFFFFF086;
	s6 =	sadd.s32 @!p0 s3, s7;
	s7 =	simm.s32 @!p0 $0x108  }
0x21: {  	s3 =	sadd.s32 s3, s9;
	s6 =	sadd.s32 @!p0 $0x88, s6;
	s7 =	simm.s32 @p2 $0x1082  }
0x22: {  	[simem:s7], [sflag:s8] =	dma.local @!p0 [hbm:s6], $0xF7A  }
0x23: {  	s9 =	sor.u32 $0xD0000000, s2;
	s6 =	simm.s32 $0x108;
	_ =	swait.ge @!p0 [sflag:s8], $0x0  }
0x24: {  	s3 =	sadd.s32 $0x88, s3;
	s6 =	simm.s32 @!p1 $0x1082;
	[sflag:s4] =	ssyncset.s32 $0xFFFFF086  }
0x25: {  	[simem:s6], [sflag:s4] =	dma.local [hbm:s3], $0xF7A  }
0x26: {  	[smem:$0x3F98] =	sst s1;
	(tag) =	ssettag s2;
	_ =	strace s9  }
0x27: {  	s1 =	sld [smem:$0x3FA8]  }
0x28: {  	s2 =	sld [smem:$0x3FA9]  }
0x29: {  	s4 =	sld [smem:$0x3FAB]  }
0x2a: {  	p0 =	seq.s32 s5, $0x0;
	s5 =	sld [smem:$0x3FAC]  }
0x2b: {  	s6 =	sld [smem:$0x3FAD]  }
0x2c: {  	s7 =	sld [smem:$0x3FAE]  }
0x2d: {  	s3 =	simm.s32 $0x108;
	s8 =	sld [smem:$0x3FAF]  }
0x2e: {  	s3 =	simm.s32 @!p0 $0x1082;
	s9 =	sld [smem:$0x3FB0]  }
0x2f: {  	lr =	sadd.s32 s0, s3;
	s0 =	sld [smem:$0x3FA7]  }
0x30: {  	s3 =	sld [smem:$0x3FAA]  }
0x31: {  	[smem:$0x3FB3] =	sst s10  }
0x32: {  	s10 =	sld [smem:$0x3FB1];
	_ =	sdelay $0x3  }
0x33: {  	p0 =	seq.s32 s10, $0x1;
	s10 =	sld [smem:$0x3FB3];
	_ =	sdelay $0x3  }
0x34: {  	[smem:$0x3FB3] =	sst s10  }
0x35: {  	s10 =	sld [smem:$0x3FB2];
	_ =	sdelay $0x3  }
0x36: {  	p1 =	seq.s32 s10, $0x1;
	s10 =	sld [smem:$0x3FB3];
	_ =	sdelay $0x3  }
0x37: {  	[smem:$0x3FB3] =	sst s10  }
0x38: {  	s10 =	sld [smem:$0x3FB4]  }
0x39: {  	_ = 	snop;
	(pc) =	sbr.ind lr, $3  }
0x3a: {  	_ = 	snop  }
0x3b: {  	_ = 	snop  }
0x3c: {  	p2 =	seq.s32 s10, $0x1;
	s10 =	sld [smem:$0x3FB3]  }
0x3d: {  	_ =	shalt  }
0x3e: {  	_ =	shalt  }
0x3f: {  	_ =	shalt  }
0x40: {  	_ =	shalt  }
0x41: {  	_ =	shalt  }
0x42: {  	_ =	shalt  }
0x43: {  	_ =	shalt  }
0x44: {  	_ =	shalt  }
0x45: {  	_ =	shalt  }
0x46: {  	_ =	shalt  }
0x47: {  	_ =	shalt  }
0x48: {  	_ =	shalt  }
0x49: {  	_ =	shalt  }
0x4a: {  	_ =	shalt  }
0x4b: {  	_ =	shalt  }
0x4c: {  	_ =	shalt  }
0x4d: {  	_ =	shalt  }
0x4e: {  	_ =	shalt  }
0x4f: {  	_ =	shalt  }
0x50: {  	_ =	shalt  }
0x51: {  	_ =	shalt  }
0x52: {  	_ =	shalt  }
0x53: {  	_ =	shalt  }
0x54: {  	_ =	shalt  }
0x55: {  	_ =	shalt  }
0x56: {  	_ =	shalt  }
0x57: {  	_ =	shalt  }
0x58: {  	_ =	shalt  }
0x59: {  	_ =	shalt  }
0x5a: {  	_ =	shalt  }
0x5b: {  	_ =	shalt  }
0x5c: {  	_ =	shalt  }
0x5d: {  	_ =	shalt  }
0x5e: {  	_ =	shalt  }
0x5f: {  	_ =	shalt  }
0x60: {  	_ =	shalt  }
0x61: {  	_ =	shalt  }
0x62: {  	_ =	shalt  }
0x63: {  	_ =	shalt  }
0x64: {  	_ =	shalt  }
0x65: {  	_ =	shalt  }
0x66: {  	_ =	shalt  }
0x67: {  	_ =	shalt  }
0x68: {  	_ =	shalt  }
0x69: {  	_ =	shalt  }
0x6a: {  	_ =	shalt  }
0x6b: {  	_ =	shalt  }
0x6c: {  	_ =	shalt  }
0x6d: {  	_ =	shalt  }
0x6e: {  	_ =	shalt  }
0x6f: {  	_ =	shalt  }
0x70: {  	_ =	shalt  }
0x71: {  	_ =	shalt  }
0x72: {  	_ =	shalt  }
0x73: {  	_ =	shalt  }
0x74: {  	_ =	shalt  }
0x75: {  	_ =	shalt  }
0x76: {  	_ =	shalt  }
0x77: {  	_ =	shalt  }
0x78: {  	_ =	shalt  }
0x79: {  	_ =	shalt  }
0x7a: {  	_ =	shalt  }
0x7b: {  	_ =	shalt  }
0x7c: {  	_ =	shalt  }
0x7d: {  	_ =	shalt  }
0x7e: {  	_ =	shalt  }
0x7f: {  	_ =	shalt  }
0x80: {  	_ =	shalt  }
0x81: {  	_ =	shalt  }
0x82: {  	_ =	shalt  }
0x83: {  	_ =	shalt  }
0x84: {  	_ =	shalt  }
0x85: {  	_ =	shalt  }
0x86: {  	_ =	shalt  }
0x87: {  	_ =	shalt  }
.Lfunc_end0:
.L_simem_size_0:
called_computation_lowered:
.L_overlay_start_0:
0x88: {  	s2 =	sld [smem:$0x3FD9]  }
0x89: {  	s3 =	sld [smem:$0x3FFE];
	_ =	sdelay $0x1  }
0x8a: {  	s1 =	srdreg.scid  }
0x8b: {  	s0 =	sand.u32 $0x1, s1  }
0x8c: {  	s16 =	sshll.u32 s0, $0xA;
	s2 =	sadd.s32 s3, s2  }
0x8d: {  	s2 =	sadd.s32 s2, s16  }
0x8e: {  	[smem:$0x3FBF] =	sst s2  }
0x8f: {  	_ = 	snop  }
0x90: {  	(tm) =	ssettm $0x1  }
0x91: {  	s17 =	sld [smem:$0x3FFB];
	_ =	sdelay $0x3  }
0x92: {  	_ =	strace s17  }
0x93: {  	s2 =	sld [smem:$0x3FFC];
	_ =	sdelay $0x3  }
0x94: {  	_ =	strace s2  }
0x95: {  	s2 =	sld [smem:$0x3FFD];
	_ =	sdelay $0x3  }
0x96: {  	_ =	strace s2  }
0x97: {  	_ =	strace $0x8FFFFFFF  }
0x98: {  	s18 =	sld [smem:$0x3FDB];
	_ =	sdelay $0x1  }
0x99: {  	s19 =	simm.s32 $_scs_section_size  }
0x9a: {  	s4 =	simm.s32 $_size__tile_overlayer_lowered;
	s5 =	simm.s32 $_tile_overlayer_lowered  }
0x9b: {  	s22 =	simm.s32 $0x1BFF;
	s21 =	sshll.u32 s5, $0x1;
	s2 =	sadd.s32 s19, s18  }
0x9c: {  	s6 =	simm.s32 $0x0;
	s20 =	sshll.u32 s4, $0x1;
	s4 =	sadd.s32 s21, s2  }
0x9d: {  	[timem:s6], [sflag:s22] =	dma.local [hbm:s4], s20  }
0x9e: {  	_ =	swait.ge [sflag:s22], s20  }
0x9f: {  	s3 =	ssub.s32 $0x0, s20;
	[sflag:s22] =	ssyncset.done $0x0  }
0xa0: {  	[sflag:s22] =	ssyncadd.s32 s3;
	_ =	sdelay $0x1  }
0xa1: {  	s23 =	simm.s32 $0x1B8B  }
0xa2: {  	_ =	swait.ge [sflag:s23], $0x1  }
0xa3: {  	[sflag:s23] =	ssyncset.done $0x0  }
0xa4: {  	s25 =	simm.s32 $0x1B8E;
	s24 =	sld [smem:$0x3FFE];
	[sflag:s23] =	ssyncadd.s32 $0xFFFFFFFF  }
0xa5: {  	s26 =	simm.s32 $execute0_lowered;
	[smem:$0x3FD2] =	sst s25  }
0xa6: {  	s4 =	sshll.u32 s26, $0x1;
	_ =	strace $0x80000046;
	[dreg:$0x1] =	wrdreg $0xFFFFFFFF  }
0xa7: {  	s28 =	simm.s32 $_size_execute0_lowered;
	s2 =	sadd.s32 s2, s4;
	[dreg:$0x0] =	wrdreg $0x0  }
0xa8: {  	s4 =	sshll.u32 s28, $0x1;
	[dreg:$0x2] =	wrdreg s2  }
0xa9: {  	[dreg:$0x3] =	wrdreg s4  }
0xaa: {  	[dreg:$0x4] =	wrdreg $0xC0  }
0xab: {  	_ =	task [dreg:s6], $0x5FFFF  }
0xac: {  	[dreg:$0x1] =	wrdreg $0xFFFFFFFF  }
0xad: {  	[dreg:$0x0] =	wrdreg $0x60  }
0xae: {  	[dreg:$0x2] =	wrdreg s24  }
0xaf: {  	[dreg:$0x3] =	wrdreg $0x9  }
0xb0: {  	_ =	task.clear_ibuf [dreg:s6], $0x4FFFF;
	_ =	strace $0x90000046  }
0xb1: {  	s29 =	simm.s32 $0x9;
	_ =	strace $0x80000048  }
0xb2: {  	_ =	swait.ge [sflag:s29], $0x1  }
0xb3: {  	[sflag:s29] =	ssyncadd.s32 $0xFFFFFFFF  }
0xb4: {  	_ =	strace $0x90000048  }
0xb5: {  	_ =	sfence  }
0xb6: {  	s30 =	sld [smem:$0x0];
	_ =	sdelay $0x2  }
0xb7: {  	s31 =	sshll.u32 s1, $0xD;
	s1 =	sshrl.u32 s1, $0x2  }
0xb8: {  	s3 =	sand.u32 $0x4000, s31;
	s1 =	sadd.s32 s1, s30  }
0xb9: {  	s0 =	sor.u32 s3, s0;
	s1 =	sshll.u32 s1, $0x11  }
0xba: {  	s0 =	sor.u32 s1, s0  }
0xbb: {  	s0 =	sadd.s32 $0x8F2B, s0  }
0xbc: {  	[sflag:s0] =	ssyncadd.remote.s32 $0x1  }
0xbd: {  	_ =	sfence.sel $0xFFFF  }
0xbe: {  	[dreg:$0x0] =	wrdreg $0xFFFFFFFF;
	(pc) =	sbr.abs _section_cstart, $3  }
0xbf: {  	[dreg:$0x1] =	wrdreg $0xFFFFFFFF  }
0xc0: {  	_ =	task.clear_ibuf [dreg:s6], $0x2FFFF;
	_ =	strace $0x9FFFFFFF  }
0xc1: {  	(tm) =	ssettm $0x7FFFFFFF  }
tec
execute0_lowered:
.L_overlay_start_1:
0x0: {  	(tag) =	ssettag $0x1  }
0x1: {  	s3 =	rddreg [dreg:$0x0]  }
0x2: {  	s0 =	rddreg [dreg:$0x1]  }
0x3: {  	s1 =	stileid.u32;
	s2 =	simm.s32 $0x0;
	s4 =	srdreg.scid  }
0x4: {  	s9 =	simm.s32 $0x2800;
	s10 =	simm.s32 $0x0;
	s5 =	sshrl.u32 s1, $0x2  }
0x5: {  	s4 =	sand.u32 $0x1, s4;
	s6 =	sshll.u32 s1, $0x8;
	[smem:$0x7FF] =	sst s2  }
0x6: {  	s7 =	smul.u32 $0x14000, s5;
	s8 =	sshll.u32 s4, $0x7;
	s6 =	sand.u32 $0x300, s6  }
0x7: {  	s5 =	smul.u32 $0x13C00, s5;
	s4 =	ssub.s32 $0x2, s4;
	s6 =	sor.u32 s8, s6  }
0x8: {  	_ =	strace $0x80000047;
	s30 =	sshrl.u32 s4, $0x1;
	s7 =	sor.u32 s7, s6  }
0x9: {  	s8 =	simm.s32 $0x1;
	s5 =	sor.u32 s5, s6;
	s29 =	sshrl.u32 s7, $0x3  }
0xa: {  	s31 =	ssub.s32 s4, s30;
	s5 =	sshrl.u32 s5, $0x3;
	s6 =	sadd.s32 s29, s3  }
0xb: {  	s7 =	simm.s32 $0x400;
	s5 =	sadd.s32 s5, s3;
	s3 =	sadd.s32 $0x2000, s6  }
0xc: {  	v0 =	vimm.f32 $0.0e+00;
	v1 =	vimm.f32 $1.000000000e+00;
	s4 =	sadd.s32 $0xC000, s5;
	s5 =	smax.u32 s31, $0x1;
	s6 =	simm.s32 $0x80  }
.LBB2_1:
0xd: {  	[tilespmem:s2], [sflag:$0x1] =	stream.strided.gather [hbm4b:s3+s6], $0x2800, s7, s6, $0x38;
	[tilespmem:$0x4F80] =	vst v63  }
0xe: {  	_ =	swait.ge [sflag:s8], $0x2800  }
0xf: {  	[sflag:s8] =	ssyncset.done $0x0  }
0x10: {  	s11 =	simm.s32 $0x0;
	[sflag:s8] =	ssyncadd.s32 $0xFFFFD800  }
.LBB2_2:
0x11: {  	p0 =	sne.s32 s11, $0x9DC0  }
.Ltmp0:
0x12: {  	_ = 	snop;
	(pc) =	sbr.rel @p0 .LBB2_2-.Ltmp0, $3  }
0x13: {  	_ =	sdelay $0x1  }
0x14: {  	s12 =	sshra.s32 s11, $0x2  }
0x15: {  	s11 =	sadd.s32 $0x40, s11;
	[tilespmem:s12+$0x2800] =	vst v0  }
0x16: {  	s12 =	simm.s32 $0x0;
	s11 =	simm.s32 $0x40  }
.LBB2_4:
0x17: {  	p0 =	sne.s32 s11, $0x9FC0;
	v2 =	vld [tilespmem:s12+$0x0];
	_ =	sdelay $0x3  }
.Ltmp1:
0x18: {  	(pc) =	sbr.rel @p0 .LBB2_4-.Ltmp1, $2  }
0x19: {  	_ =	sdelay $0x2  }
0x1a: {  	s12 =	sshra.s32 s11, $0x2;
	s11 =	sadd.s32 $0x40, s11;
	[tilespmem:v2+s9+$0x0] =	vst.idx.add.f32.msk $0xffff, v1  }
0x1b: {  	v2 =	vld [tilespmem:s12+$0x0];
	_ =	sdelay $0x5  }
0x1c: {  	s10 =	sadd.s32 $0x1, s10  }
0x1d: {  	p0 =	sne.s32 s10, s5  }
.Ltmp2:
0x1e: {  	[tilespmem:v2+s9+$0x0] =	vst.idx.add.f32.msk $0xffff, v1;
	(pc) =	sbr.rel @p0 .LBB2_1-.Ltmp2, $4  }
0x1f: {  	[hbm4b:s4+s6] =	stream.strided.scatter [tilespmem:s9], [sflag:$0x1], $0x2780, s7, s6, $0x38;
	[tilespmem:$0x4F80] =	vst v63  }
0x20: {  	_ =	swait.ge [sflag:s8], $0x2780  }
0x21: {  	[sflag:s8] =	ssyncset.done $0x0  }
0x22: {  	[sflag:s8] =	ssyncadd.s32 $0xFFFFD880  }
0x23: {  	_ =	sfence.sel $0x180000  }
0x24: {  	[bflag:$0x0] =	sbarrier.arrive $0xFFFF  }
0x25: {  	p0 =	sne.s32 s1, $0x0;
	_ =	strace $0x90000047  }
0x26: {  	s0 =	sadd.s32 @!p0 $0x100000, s0;
	[bflag:$0x2] =	sbarrier.arrive $0xFFFF  }
0x27: {  	[sflag:s0] =	ssyncadd.tile.s32 @!p0 $0x1;
	_ =	shalt  }
.Lfunc_end2:
_tile_overlayer_lowered:
.L_overlay_start_2:
0x28: {  	(tag) =	ssettag $0x2  }
0x29: {  	s0 =	rddreg [dreg:$0x0];
	s2 =	stileid.u32  }
0x2a: {  	s1 =	rddreg [dreg:$0x1];
	p0 =	sne.s32 s2, $0x0  }
0x2b: {  	s3 =	rddreg [dreg:$0x2];
	[bflag:$0x3] =	sbarrier.arrive $0xFFFF;
	s2 =	simm.s32 @!p0 $0x1C01  }
0x2c: {  	[timem:s3], [sflag:s2] =	dma.local @!p0 [hbm:s0], s1  }
0x2d: {  	s0 =	simm.s32 @!p0 $0x1  }
0x2e: {  	_ =	swait.ge @!p0 [sflag:s0], s1  }
0x2f: {  	s1 =	ssub.s32 @!p0 $0x0, s1;
	[sflag:s0] =	ssyncset.done @!p0 $0x0  }
0x30: {  	[sflag:s0] =	ssyncadd.s32 @!p0 s1  }
0x31: {  	[bflag:$0x3] =	sbarrier.arrive $0xFFFF  }
0x32: {  	_ =	shalt  }

</sc_bundles>
